<compile_context>
chip_gen: v7x
topology: tpu7x:2x2x1
jax: 0.10.2.dev20260603
libtpu: 0.0.44.dev20260713+nightly
codegen_flags: <defaults>
</compile_context>

<pallas_src>
import functools

import jax
import jax.numpy as jnp
from jax import lax
from jax.experimental import pallas as pl
from jax.experimental.pallas import tpu as pltpu
from jax.experimental.pallas import tpu_sc as plsc

B = 16384
D = 64
NW = 32
BPW = B // NW
SB = BPW // 2
BW = 1024


def _sc_gather_user(tbl_u, tbl_g, tbl_c, tbl_y, tbl_t,
                    i_u, i_g, i_c, i_y, i_pt, i_nt):
    mesh = plsc.VectorSubcoreMesh(core_axis_name="c", subcore_axis_name="s")
    out_type = tuple(jax.ShapeDtypeStruct((B, D), jnp.float32)
                     for _ in range(6))

    @functools.partial(
        pl.kernel, mesh=mesh, out_type=out_type,
        compiler_params=pltpu.CompilerParams(use_tc_tiling_on_sc=False),
        scratch_types=(
            [pltpu.VMEM((BPW,), jnp.int32) for _ in range(6)]
            + [pltpu.VMEM((BPW, D), jnp.float32)]
            + [pltpu.VMEM((SB, D), jnp.float32)]
            + [pltpu.VMEM_SHARED((4, D), jnp.float32),
               pltpu.VMEM_SHARED((201, D), jnp.float32),
               pltpu.VMEM_SHARED((1001, D), jnp.float32),
               pltpu.VMEM_SHARED((1001, D), jnp.float32)]
            + [pltpu.SemaphoreType.DMA for _ in range(6)]
        ),
    )
    def k(t_u, t_g, t_c, t_y, t_t,
          h_u, h_g, h_c, h_y, h_pt, h_nt,
          o_u, o_g, o_c, o_y, o_pt, o_nt,
          *scr):
        idxb = scr[:6]
        bigb = scr[6]
        smlb = scr[7]
        sp_g, sp_y, sp_c, sp_t = scr[8:12]
        isem, ssem, sgsem, swsem, gsem, wsem = scr[12:18]
        sid = lax.axis_index("s")
        wid = sid * 2 + lax.axis_index("c")
        base = wid * BPW

        @pl.when(sid == 0)
        def _stage():
            cps = [pltpu.async_copy(t_g, sp_g, ssem),
                   pltpu.async_copy(t_y, sp_y, ssem),
                   pltpu.async_copy(t_c, sp_c, ssem),
                   pltpu.async_copy(t_t, sp_t, ssem)]
            for c in cps:
                c.wait()

        ihs = (h_u, h_g, h_y, h_c, h_pt, h_nt)
        ic = [pltpu.async_copy(ihs[j].at[pl.ds(base, BPW)], idxb[j], isem)
              for j in range(6)]
        for c in ic:
            c.wait()
        plsc.subcore_barrier()

        gb = pltpu.async_copy(t_u.at[idxb[0]], bigb, gsem)

        small = ((sp_g, idxb[1], o_g), (sp_y, idxb[2], o_y),
                 (sp_c, idxb[3], o_c), (sp_t, idxb[4], o_pt),
                 (sp_t, idxb[5], o_nt))
        sw = None
        for t, ix, oh in small:
            for h in range(2):
                if sw is not None:
                    sw.wait()
                sg = pltpu.async_copy(t.at[ix.at[pl.ds(h * SB, SB)]],
                                      smlb, sgsem)
                sg.wait()
                sw = pltpu.async_copy(
                    smlb, oh.at[pl.ds(base + h * SB, SB)], swsem)
        sw.wait()

        gb.wait()
        pltpu.async_copy(bigb, o_u.at[pl.ds(base, BPW)], wsem).wait()

    return k(tbl_u, tbl_g, tbl_c, tbl_y, tbl_t,
             i_u, i_g, i_c, i_y, i_pt, i_nt)


def _sc_gather_ads(tbl_a, i_p, i_n):
    mesh = plsc.VectorSubcoreMesh(core_axis_name="c", subcore_axis_name="s")
    out_type = tuple(jax.ShapeDtypeStruct((B, D), jnp.float32)
                     for _ in range(2))

    @functools.partial(
        pl.kernel, mesh=mesh, out_type=out_type,
        compiler_params=pltpu.CompilerParams(use_tc_tiling_on_sc=False),
        scratch_types=(
            [pltpu.VMEM((BPW,), jnp.int32) for _ in range(2)]
            + [pltpu.VMEM((BPW, D), jnp.float32) for _ in range(2)]
            + [pltpu.SemaphoreType.DMA for _ in range(5)]
        ),
    )
    def k(t_a, h_p, h_n, o_p, o_n, *scr):
        idxb = scr[:2]
        bufb = scr[2:4]
        isem = scr[4]
        gsem = scr[5:7]
        wsem = scr[7:9]
        sid = lax.axis_index("s")
        wid = sid * 2 + lax.axis_index("c")
        base = wid * BPW

        ic = [pltpu.async_copy(h.at[pl.ds(base, BPW)], idxb[j], isem)
              for j, h in enumerate((h_p, h_n))]
        for c in ic:
            c.wait()
        g = [pltpu.async_copy(t_a.at[idxb[j]], bufb[j], gsem[j])
             for j in range(2)]
        w = []
        for j, oh in enumerate((o_p, o_n)):
            g[j].wait()
            w.append(pltpu.async_copy(bufb[j], oh.at[pl.ds(base, BPW)],
                                      wsem[j]))
        for c in w:
            c.wait()

    return k(tbl_a, i_p, i_n)


def _ln(x, g, b, eps=1e-3):
    m = jnp.mean(x, axis=-1, keepdims=True)
    xc = x - m
    v = jnp.mean(xc * xc, axis=-1, keepdims=True)
    return xc * lax.rsqrt(v + eps) * g + b


def _dense_body(f_u, f_g, f_c, f_y, f_p, f_pt, f_n, f_nt,
                uW1, ub1, uW2, ub2, uW3, ub3,
                aW1, ab1, aW2, ab2, aW3, ab3,
                g_u, be_u, g_a, be_a, out):
    f32 = jnp.float32
    dot = functools.partial(jnp.dot, preferred_element_type=f32)

    def par(f, e):
        return f[...][:, e * D:(e + 1) * D]

    uf = jnp.concatenate(
        [jnp.concatenate([par(f_u, e), par(f_g, e), par(f_c, e),
                          par(f_y, e)], axis=1) for e in (0, 1)], axis=0)
    h = jnp.maximum(dot(uf, uW1[...]) + ub1[...], 0.0)
    h = jnp.maximum(dot(h, uW2[...]) + ub2[...], 0.0)
    u = _ln(dot(h, uW3[...]) + ub3[...], g_u[...], be_u[...])

    af = jnp.concatenate(
        [jnp.concatenate([par(f_p, e), par(f_pt, e)], axis=1)
         for e in (0, 1)]
        + [jnp.concatenate([par(f_n, e), par(f_nt, e)], axis=1)
           for e in (0, 1)], axis=0)
    a = jnp.maximum(dot(af, aW1[...]) + ab1[...], 0.0)
    a = jnp.maximum(dot(a, aW2[...]) + ab2[...], 0.0)
    a = _ln(dot(a, aW3[...]) + ab3[...], g_a[...], be_a[...])

    diff = a[:2 * BW] - a[2 * BW:]
    s = jnp.sum(u * diff, axis=1, keepdims=True)
    out[...] = jnp.concatenate([s[:BW], s[BW:]], axis=1)


def _tc_dense(feats, uW1, ub1, uW2, ub2, uW3, ub3,
              aW1, ab1, aW2, ab2, aW3, ab3, g_u, be_u, g_a, be_a,
              interpret=False):
    grid = ((B // 2) // BW,)
    feat_spec = pl.BlockSpec((BW, 2 * D), lambda i: (i, 0))
    full = lambda a: pl.BlockSpec(a.shape, lambda i: (0,) * a.ndim)
    ws = [uW1, ub1, uW2, ub2, uW3, ub3, aW1, ab1, aW2, ab2, aW3, ab3,
          g_u, be_u, g_a, be_a]
    return pl.pallas_call(
        _dense_body,
        grid=grid,
        in_specs=[feat_spec] * 8 + [full(w) for w in ws],
        out_specs=pl.BlockSpec((BW, 2), lambda i: (i, 0)),
        out_shape=jax.ShapeDtypeStruct((B // 2, 2), jnp.float32),
        interpret=interpret,
    )(*feats, *ws)


def kernel(user_id, gender, city, country, pos_ad_id, pos_ad_topic,
           neg_ad_id, neg_ad_topic,
           emb_user_id, emb_gender, emb_city, emb_country, emb_ad_id,
           emb_ad_topic,
           uW1, ub1, uW2, ub2, uW3, ub3, aW1, ab1, aW2, ab2, aW3, ab3,
           g_u, be_u, g_a, be_a):
    idx = [a.reshape(-1).astype(jnp.int32)
           for a in (user_id, gender, city, country,
                     pos_ad_id, pos_ad_topic, neg_ad_id, neg_ad_topic)]
    i_u, i_g, i_c, i_y, i_p, i_pt, i_n, i_nt = idx
    f_u, f_g, f_c, f_y, f_pt, f_nt = _sc_gather_user(
        emb_user_id, emb_gender, emb_city, emb_country, emb_ad_topic,
        i_u, i_g, i_c, i_y, i_pt, i_nt)
    f_p, f_n = _sc_gather_ads(emb_ad_id, i_p, i_n)
    feats = (f_u, f_g, f_c, f_y, f_p, f_pt, f_n, f_nt)
    packed = [f.reshape(B // 2, 2 * D) for f in feats]
    out2 = _tc_dense(
        packed,
        uW1, ub1.reshape(1, -1), uW2, ub2.reshape(1, -1), uW3,
        ub3.reshape(1, -1),
        aW1, ab1.reshape(1, -1), aW2, ab2.reshape(1, -1), aW3,
        ab3.reshape(1, -1),
        g_u.reshape(1, -1), be_u.reshape(1, -1),
        g_a.reshape(1, -1), be_a.reshape(1, -1))
    return out2.reshape(B, 1)

# --- scband reference (transcript-rebuilt; emitter-appended) ---
"""Pipeline reference for scband-retrieval-model-8615704396435 (READ-ONLY COPY).

The authoritative reference and input builder live on the scoring server;
editing this copy changes nothing except your own understanding.
"""

import jax, jax.numpy as jnp
import numpy as np

B = 16384
D = 64


def _ln(x, g, b, eps=1e-3):
    m = jnp.mean(x, axis=-1, keepdims=True)
    v = jnp.mean((x - m) ** 2, axis=-1, keepdims=True)
    return (x - m) / jnp.sqrt(v + eps) * g + b


def _mlp(x, W1, b1, W2, b2, W3, b3):
    x = jax.nn.relu(x @ W1 + b1)
    x = jax.nn.relu(x @ W2 + b2)
    return x @ W3 + b3


def setup_inputs(seed: int = 0):
    key = jax.random.key(seed)
    ks = [jax.random.fold_in(key, i) for i in range(40)]
    inp = {}
    inp['user_id'] = jax.random.randint(ks[0], (B, 1), 0, 100000)
    inp['gender'] = jax.random.randint(ks[1], (B, 1), 0, 3)
    inp['city'] = jax.random.randint(ks[2], (B, 1), 0, 1000)
    inp['country'] = jax.random.randint(ks[3], (B, 1), 0, 200)
    inp['pos_ad_id'] = jax.random.randint(ks[4], (B, 1), 0, 100000)
    inp['pos_ad_topic'] = jax.random.randint(ks[5], (B, 1), 0, 1000)
    inp['neg_ad_id'] = jax.random.randint(ks[6], (B, 1), 0, 100000)
    inp['neg_ad_topic'] = jax.random.randint(ks[7], (B, 1), 0, 1000)
    # embedding tables: rows = vocab + 1 (StringLookup OOV slot)
    inp['emb_user_id'] = jax.random.normal(ks[10], (100001, D), jnp.float32) * 0.02
    inp['emb_gender'] = jax.random.normal(ks[11], (4, D), jnp.float32) * 0.02
    inp['emb_city'] = jax.random.normal(ks[12], (1001, D), jnp.float32) * 0.02
    inp['emb_country'] = jax.random.normal(ks[13], (201, D), jnp.float32) * 0.02
    inp['emb_ad_id'] = jax.random.normal(ks[14], (100001, D), jnp.float32) * 0.02
    inp['emb_ad_topic'] = jax.random.normal(ks[15], (1001, D), jnp.float32) * 0.02
    # user tower MLP: concat dim = 4*D = 256
    inp['uW1'] = jax.random.normal(ks[20], (4 * D, 128), jnp.float32) * (1.0 / np.sqrt(4 * D))
    inp['ub1'] = jnp.zeros((128,), jnp.float32)
    inp['uW2'] = jax.random.normal(ks[21], (128, 64), jnp.float32) * (1.0 / np.sqrt(128))
    inp['ub2'] = jnp.zeros((64,), jnp.float32)
    inp['uW3'] = jax.random.normal(ks[22], (64, D), jnp.float32) * (1.0 / np.sqrt(64))
    inp['ub3'] = jnp.zeros((D,), jnp.float32)
    # ad tower MLP: concat dim = 2*D = 128
    inp['aW1'] = jax.random.normal(ks[23], (2 * D, 128), jnp.float32) * (1.0 / np.sqrt(2 * D))
    inp['ab1'] = jnp.zeros((128,), jnp.float32)
    inp['aW2'] = jax.random.normal(ks[24], (128, 64), jnp.float32) * (1.0 / np.sqrt(128))
    inp['ab2'] = jnp.zeros((64,), jnp.float32)
    inp['aW3'] = jax.random.normal(ks[25], (64, D), jnp.float32) * (1.0 / np.sqrt(64))
    inp['ab3'] = jnp.zeros((D,), jnp.float32)
    # LayerNorm params
    inp['g_u'] = jnp.ones((D,), jnp.float32)
    inp['be_u'] = jnp.zeros((D,), jnp.float32)
    inp['g_a'] = jnp.ones((D,), jnp.float32)
    inp['be_a'] = jnp.zeros((D,), jnp.float32)
    return inp


def reference(user_id, gender, city, country, pos_ad_id, pos_ad_topic, neg_ad_id, neg_ad_topic,
              emb_user_id, emb_gender, emb_city, emb_country, emb_ad_id, emb_ad_topic,
              uW1, ub1, uW2, ub2, uW3, ub3, aW1, ab1, aW2, ab2, aW3, ab3,
              g_u, be_u, g_a, be_a):
    u_feat = jnp.concatenate([
        jnp.take(emb_user_id, user_id[:, 0], axis=0),
        jnp.take(emb_gender, gender[:, 0], axis=0),
        jnp.take(emb_city, city[:, 0], axis=0),
        jnp.take(emb_country, country[:, 0], axis=0)], axis=1)
    u_emb = _ln(_mlp(u_feat, uW1, ub1, uW2, ub2, uW3, ub3), g_u, be_u)

    def ad_tower(aid, atop):
        f = jnp.concatenate([
            jnp.take(emb_ad_id, aid[:, 0], axis=0),
            jnp.take(emb_ad_topic, atop[:, 0], axis=0)], axis=1)
        return _ln(_mlp(f, aW1, ab1, aW2, ab2, aW3, ab3), g_a, be_a)

    pos_emb = ad_tower(pos_ad_id, pos_ad_topic)
    neg_emb = ad_tower(neg_ad_id, neg_ad_topic)
    pos_score = jnp.sum(u_emb * pos_emb, axis=1, keepdims=True)
    neg_score = jnp.sum(u_emb * neg_emb, axis=1, keepdims=True)
    return pos_score - neg_score

if __name__ == "__main__":
    import jax
    _d = setup_inputs()
    print(jax.jit(kernel)(*tuple(_d.values())))

</pallas_src>

<mosaic_0001>
#map = affine_map<(d0, d1) -> (0, 0)>
#map1 = affine_map<(d0, d1) -> (0)>
module attributes {stable_mosaic.version = 14 : i64} {
  func.func @k(%arg0: i32, %arg1: i32, %arg2: memref<100001x64xf32, #tpu.memory_space<hbm>>, %arg3: memref<16384xi32, #tpu.memory_space<hbm>>, %arg4: memref<16384xi32, #tpu.memory_space<hbm>>, %arg5: memref<16384x64xf32, #tpu.memory_space<hbm>>, %arg6: memref<16384x64xf32, #tpu.memory_space<hbm>>, %arg7: memref<512xi32, #tpu.memory_space<vmem>>, %arg8: memref<512xi32, #tpu.memory_space<vmem>>, %arg9: memref<512x64xf32, #tpu.memory_space<vmem>>, %arg10: memref<512x64xf32, #tpu.memory_space<vmem>>, %arg11: memref<!tpu.dma_semaphore, #tpu.memory_space<semaphore_mem>>, %arg12: memref<!tpu.dma_semaphore, #tpu.memory_space<semaphore_mem>>, %arg13: memref<!tpu.dma_semaphore, #tpu.memory_space<semaphore_mem>>, %arg14: memref<!tpu.dma_semaphore, #tpu.memory_space<semaphore_mem>>, %arg15: memref<!tpu.dma_semaphore, #tpu.memory_space<semaphore_mem>>) attributes {dimension_semantics = [#tpu.dimension_semantics<core_parallel>, #tpu.dimension_semantics<subcore_parallel>], iteration_bounds = array<i64: 2, 16>, scalar_prefetch = 0 : i64, scratch_operands = 9 : i64, tpu.core_type = #tpu.core_type<sc_vector_subcore>, window_params = [{transform_indices = #map}, {transform_indices = #map1}, {transform_indices = #map1}, {transform_indices = #map}, {transform_indices = #map}]} {
    %mul3A = arith.constant 2 : i32
    %mul3A_0 = arith.muli %arg1, %mul3A : i32
    %add3A = arith.addi %mul3A_0, %arg0 : i32
    %mul3A_1 = arith.constant 512 : i32
    %mul3A_2 = arith.muli %add3A, %mul3A_1 : i32
    %dma_start3A = tpu.memref_slice %arg3[%mul3A_2] : memref<16384xi32, #tpu.memory_space<hbm>> -> memref<512xi32, #tpu.memory_space<hbm>>
    %dma_start3A_3 = tpu.memref_slice %arg3[%mul3A_2] : memref<16384xi32, #tpu.memory_space<hbm>> -> memref<512xi32, #tpu.memory_space<hbm>>
    tpu.enqueue_dma source(%dma_start3A_3 : memref<512xi32, #tpu.memory_space<hbm>>) target(%arg7 : memref<512xi32, #tpu.memory_space<vmem>>) target_semaphore(%arg11 : memref<!tpu.dma_semaphore, #tpu.memory_space<semaphore_mem>>)
    %dma_start3A_4 = tpu.memref_slice %arg4[%mul3A_2] : memref<16384xi32, #tpu.memory_space<hbm>> -> memref<512xi32, #tpu.memory_space<hbm>>
    %dma_start3A_5 = tpu.memref_slice %arg4[%mul3A_2] : memref<16384xi32, #tpu.memory_space<hbm>> -> memref<512xi32, #tpu.memory_space<hbm>>
    tpu.enqueue_dma source(%dma_start3A_5 : memref<512xi32, #tpu.memory_space<hbm>>) target(%arg8 : memref<512xi32, #tpu.memory_space<vmem>>) target_semaphore(%arg11 : memref<!tpu.dma_semaphore, #tpu.memory_space<semaphore_mem>>)
    %dma_wait3A = tpu.memref_slice %arg3[%mul3A_2] : memref<16384xi32, #tpu.memory_space<hbm>> -> memref<512xi32, #tpu.memory_space<hbm>>
    %dma_wait3A_6 = tpu.memref_slice %arg3[%mul3A_2] : memref<16384xi32, #tpu.memory_space<hbm>> -> memref<512xi32, #tpu.memory_space<hbm>>
    tpu.wait_dma2 semaphore(%arg11 : memref<!tpu.dma_semaphore, #tpu.memory_space<semaphore_mem>>) src(%dma_wait3A_6 : memref<512xi32, #tpu.memory_space<hbm>>) dst(%arg7 : memref<512xi32, #tpu.memory_space<vmem>>)
    %dma_wait3A_7 = tpu.memref_slice %arg4[%mul3A_2] : memref<16384xi32, #tpu.memory_space<hbm>> -> memref<512xi32, #tpu.memory_space<hbm>>
    %dma_wait3A_8 = tpu.memref_slice %arg4[%mul3A_2] : memref<16384xi32, #tpu.memory_space<hbm>> -> memref<512xi32, #tpu.memory_space<hbm>>
    tpu.wait_dma2 semaphore(%arg11 : memref<!tpu.dma_semaphore, #tpu.memory_space<semaphore_mem>>) src(%dma_wait3A_8 : memref<512xi32, #tpu.memory_space<hbm>>) dst(%arg8 : memref<512xi32, #tpu.memory_space<vmem>>)
    %dma_start3A_9 = arith.constant 0 : i32
    %dma_start3A_10 = arith.constant 0 : i32
    %dma_start3A_11 = tpu.memref_slice %arg2[%dma_start3A_9, %dma_start3A_10] : memref<100001x64xf32, #tpu.memory_space<hbm>> -> memref<100001x64xf32, #tpu.memory_space<hbm>>
    tpu.enqueue_indirect_dma source(%dma_start3A_11 : memref<100001x64xf32, #tpu.memory_space<hbm>>) target(%arg9 : memref<512x64xf32, #tpu.memory_space<vmem>>) offsets(%arg7 : memref<512xi32, #tpu.memory_space<vmem>>) semaphore(%arg12 : memref<!tpu.dma_semaphore, #tpu.memory_space<semaphore_mem>>)
    %dma_start3A_12 = arith.constant 0 : i32
    %dma_start3A_13 = arith.constant 0 : i32
    %dma_start3A_14 = tpu.memref_slice %arg2[%dma_start3A_12, %dma_start3A_13] : memref<100001x64xf32, #tpu.memory_space<hbm>> -> memref<100001x64xf32, #tpu.memory_space<hbm>>
    tpu.enqueue_indirect_dma source(%dma_start3A_14 : memref<100001x64xf32, #tpu.memory_space<hbm>>) target(%arg10 : memref<512x64xf32, #tpu.memory_space<vmem>>) offsets(%arg8 : memref<512xi32, #tpu.memory_space<vmem>>) semaphore(%arg13 : memref<!tpu.dma_semaphore, #tpu.memory_space<semaphore_mem>>)
    %dma_wait3A_15 = arith.constant 0 : i32
    %dma_wait3A_16 = arith.constant 0 : i32
    %dma_wait3A_17 = tpu.memref_slice %arg2[%dma_wait3A_15, %dma_wait3A_16] : memref<100001x64xf32, #tpu.memory_space<hbm>> -> memref<100001x64xf32, #tpu.memory_space<hbm>>
    tpu.wait_indirect_dma semaphore(%arg12 : memref<!tpu.dma_semaphore, #tpu.memory_space<semaphore_mem>>) src(%dma_wait3A_17 : memref<100001x64xf32, #tpu.memory_space<hbm>>) dst(%arg9 : memref<512x64xf32, #tpu.memory_space<vmem>>)
    %dma_start3A_18 = arith.constant 0 : i32
    %dma_start3A_19 = tpu.memref_slice %arg5[%mul3A_2, %dma_start3A_18] : memref<16384x64xf32, #tpu.memory_space<hbm>> -> memref<512x64xf32, #tpu.memory_space<hbm>>
    %dma_start3A_20 = arith.constant 0 : i32
    %dma_start3A_21 = tpu.memref_slice %arg5[%mul3A_2, %dma_start3A_20] : memref<16384x64xf32, #tpu.memory_space<hbm>> -> memref<512x64xf32, #tpu.memory_space<hbm>>
    tpu.enqueue_dma source(%arg9 : memref<512x64xf32, #tpu.memory_space<vmem>>) target(%dma_start3A_21 : memref<512x64xf32, #tpu.memory_space<hbm>>) target_semaphore(%arg14 : memref<!tpu.dma_semaphore, #tpu.memory_space<semaphore_mem>>)
    %dma_wait3A_22 = arith.constant 0 : i32
    %dma_wait3A_23 = arith.constant 0 : i32
    %dma_wait3A_24 = tpu.memref_slice %arg2[%dma_wait3A_22, %dma_wait3A_23] : memref<100001x64xf32, #tpu.memory_space<hbm>> -> memref<100001x64xf32, #tpu.memory_space<hbm>>
    tpu.wait_indirect_dma semaphore(%arg13 : memref<!tpu.dma_semaphore, #tpu.memory_space<semaphore_mem>>) src(%dma_wait3A_24 : memref<100001x64xf32, #tpu.memory_space<hbm>>) dst(%arg10 : memref<512x64xf32, #tpu.memory_space<vmem>>)
    %dma_start3A_25 = arith.constant 0 : i32
    %dma_start3A_26 = tpu.memref_slice %arg6[%mul3A_2, %dma_start3A_25] : memref<16384x64xf32, #tpu.memory_space<hbm>> -> memref<512x64xf32, #tpu.memory_space<hbm>>
    %dma_start3A_27 = arith.constant 0 : i32
    %dma_start3A_28 = tpu.memref_slice %arg6[%mul3A_2, %dma_start3A_27] : memref<16384x64xf32, #tpu.memory_space<hbm>> -> memref<512x64xf32, #tpu.memory_space<hbm>>
    tpu.enqueue_dma source(%arg10 : memref<512x64xf32, #tpu.memory_space<vmem>>) target(%dma_start3A_28 : memref<512x64xf32, #tpu.memory_space<hbm>>) target_semaphore(%arg15 : memref<!tpu.dma_semaphore, #tpu.memory_space<semaphore_mem>>)
    %dma_wait3A_29 = arith.constant 0 : i32
    %dma_wait3A_30 = tpu.memref_slice %arg5[%mul3A_2, %dma_wait3A_29] : memref<16384x64xf32, #tpu.memory_space<hbm>> -> memref<512x64xf32, #tpu.memory_space<hbm>>
    %dma_wait3A_31 = arith.constant 0 : i32
    %dma_wait3A_32 = tpu.memref_slice %arg5[%mul3A_2, %dma_wait3A_31] : memref<16384x64xf32, #tpu.memory_space<hbm>> -> memref<512x64xf32, #tpu.memory_space<hbm>>
    tpu.wait_dma2 semaphore(%arg14 : memref<!tpu.dma_semaphore, #tpu.memory_space<semaphore_mem>>) src(%arg9 : memref<512x64xf32, #tpu.memory_space<vmem>>) dst(%dma_wait3A_32 : memref<512x64xf32, #tpu.memory_space<hbm>>)
    %dma_wait3A_33 = arith.constant 0 : i32
    %dma_wait3A_34 = tpu.memref_slice %arg6[%mul3A_2, %dma_wait3A_33] : memref<16384x64xf32, #tpu.memory_space<hbm>> -> memref<512x64xf32, #tpu.memory_space<hbm>>
    %dma_wait3A_35 = arith.constant 0 : i32
    %dma_wait3A_36 = tpu.memref_slice %arg6[%mul3A_2, %dma_wait3A_35] : memref<16384x64xf32, #tpu.memory_space<hbm>> -> memref<512x64xf32, #tpu.memory_space<hbm>>
    tpu.wait_dma2 semaphore(%arg15 : memref<!tpu.dma_semaphore, #tpu.memory_space<semaphore_mem>>) src(%arg10 : memref<512x64xf32, #tpu.memory_space<vmem>>) dst(%dma_wait3A_36 : memref<512x64xf32, #tpu.memory_space<hbm>>)
    return
  }
}

#map = affine_map<(d0, d1) -> (0, 0)>
#map1 = affine_map<(d0, d1) -> (0)>
module attributes {stable_mosaic.version = 14 : i64} {
  func.func @k(%arg0: i32, %arg1: i32, %arg2: memref<100001x64xf32, #tpu.memory_space<hbm>>, %arg3: memref<4x64xf32, #tpu.memory_space<hbm>>, %arg4: memref<1001x64xf32, #tpu.memory_space<hbm>>, %arg5: memref<201x64xf32, #tpu.memory_space<hbm>>, %arg6: memref<1001x64xf32, #tpu.memory_space<hbm>>, %arg7: memref<16384xi32, #tpu.memory_space<hbm>>, %arg8: memref<16384xi32, #tpu.memory_space<hbm>>, %arg9: memref<16384xi32, #tpu.memory_space<hbm>>, %arg10: memref<16384xi32, #tpu.memory_space<hbm>>, %arg11: memref<16384xi32, #tpu.memory_space<hbm>>, %arg12: memref<16384xi32, #tpu.memory_space<hbm>>, %arg13: memref<16384x64xf32, #tpu.memory_space<hbm>>, %arg14: memref<16384x64xf32, #tpu.memory_space<hbm>>, %arg15: memref<16384x64xf32, #tpu.memory_space<hbm>>, %arg16: memref<16384x64xf32, #tpu.memory_space<hbm>>, %arg17: memref<16384x64xf32, #tpu.memory_space<hbm>>, %arg18: memref<16384x64xf32, #tpu.memory_space<hbm>>, %arg19: memref<512xi32, #tpu.memory_space<vmem>>, %arg20: memref<512xi32, #tpu.memory_space<vmem>>, %arg21: memref<512xi32, #tpu.memory_space<vmem>>, %arg22: memref<512xi32, #tpu.memory_space<vmem>>, %arg23: memref<512xi32, #tpu.memory_space<vmem>>, %arg24: memref<512xi32, #tpu.memory_space<vmem>>, %arg25: memref<512x64xf32, #tpu.memory_space<vmem>>, %arg26: memref<256x64xf32, #tpu.memory_space<vmem>>, %arg27: memref<4x64xf32, #tpu.memory_space<vmem_shared>>, %arg28: memref<201x64xf32, #tpu.memory_space<vmem_shared>>, %arg29: memref<1001x64xf32, #tpu.memory_space<vmem_shared>>, %arg30: memref<1001x64xf32, #tpu.memory_space<vmem_shared>>, %arg31: memref<!tpu.dma_semaphore, #tpu.memory_space<semaphore_mem>>, %arg32: memref<!tpu.dma_semaphore, #tpu.memory_space<semaphore_mem>>, %arg33: memref<!tpu.dma_semaphore, #tpu.memory_space<semaphore_mem>>, %arg34: memref<!tpu.dma_semaphore, #tpu.memory_space<semaphore_mem>>, %arg35: memref<!tpu.dma_semaphore, #tpu.memory_space<semaphore_mem>>, %arg36: memref<!tpu.dma_semaphore, #tpu.memory_space<semaphore_mem>>) attributes {dimension_semantics = [#tpu.dimension_semantics<core_parallel>, #tpu.dimension_semantics<subcore_parallel>], iteration_bounds = array<i64: 2, 16>, scalar_prefetch = 0 : i64, scratch_operands = 18 : i64, tpu.core_type = #tpu.core_type<sc_vector_subcore>, window_params = [{transform_indices = #map}, {transform_indices = #map}, {transform_indices = #map}, {transform_indices = #map}, {transform_indices = #map}, {transform_indices = #map1}, {transform_indices = #map1}, {transform_indices = #map1}, {transform_indices = #map1}, {transform_indices = #map1}, {transform_indices = #map1}, {transform_indices = #map}, {transform_indices = #map}, {transform_indices = #map}, {transform_indices = #map}, {transform_indices = #map}, {transform_indices = #map}]} {
    %mul3A = arith.constant 2 : i32
    %mul3A_0 = arith.muli %arg1, %mul3A : i32
    %add3A = arith.addi %mul3A_0, %arg0 : i32
    %mul3A_1 = arith.constant 512 : i32
    %mul3A_2 = arith.muli %add3A, %mul3A_1 : i32
    %eq3A = arith.constant 0 : i32
    %eq3A_3 = arith.cmpi eq, %arg1, %eq3A : i32
    %convert_element_type3A = arith.extui %eq3A_3 : i1 to i32
    %cond3A = arith.constant 0 : i32
    %cond3A_4 = arith.cmpi ne, %convert_element_type3A, %cond3A : i32
    scf.if %cond3A_4 {
      tpu.enqueue_dma source(%arg3 : memref<4x64xf32, #tpu.memory_space<hbm>>) target(%arg27 : memref<4x64xf32, #tpu.memory_space<vmem_shared>>) target_semaphore(%arg32 : memref<!tpu.dma_semaphore, #tpu.memory_space<semaphore_mem>>)
      tpu.enqueue_dma source(%arg5 : memref<201x64xf32, #tpu.memory_space<hbm>>) target(%arg28 : memref<201x64xf32, #tpu.memory_space<vmem_shared>>) target_semaphore(%arg32 : memref<!tpu.dma_semaphore, #tpu.memory_space<semaphore_mem>>)
      tpu.enqueue_dma source(%arg4 : memref<1001x64xf32, #tpu.memory_space<hbm>>) target(%arg29 : memref<1001x64xf32, #tpu.memory_space<vmem_shared>>) target_semaphore(%arg32 : memref<!tpu.dma_semaphore, #tpu.memory_space<semaphore_mem>>)
      tpu.enqueue_dma source(%arg6 : memref<1001x64xf32, #tpu.memory_space<hbm>>) target(%arg30 : memref<1001x64xf32, #tpu.memory_space<vmem_shared>>) target_semaphore(%arg32 : memref<!tpu.dma_semaphore, #tpu.memory_space<semaphore_mem>>)
      tpu.wait_dma2 semaphore(%arg32 : memref<!tpu.dma_semaphore, #tpu.memory_space<semaphore_mem>>) src(%arg3 : memref<4x64xf32, #tpu.memory_space<hbm>>) dst(%arg27 : memref<4x64xf32, #tpu.memory_space<vmem_shared>>)
      tpu.wait_dma2 semaphore(%arg32 : memref<!tpu.dma_semaphore, #tpu.memory_space<semaphore_mem>>) src(%arg5 : memref<201x64xf32, #tpu.memory_space<hbm>>) dst(%arg28 : memref<201x64xf32, #tpu.memory_space<vmem_shared>>)
      tpu.wait_dma2 semaphore(%arg32 : memref<!tpu.dma_semaphore, #tpu.memory_space<semaphore_mem>>) src(%arg4 : memref<1001x64xf32, #tpu.memory_space<hbm>>) dst(%arg29 : memref<1001x64xf32, #tpu.memory_space<vmem_shared>>)
      tpu.wait_dma2 semaphore(%arg32 : memref<!tpu.dma_semaphore, #tpu.memory_space<semaphore_mem>>) src(%arg6 : memref<1001x64xf32, #tpu.memory_space<hbm>>) dst(%arg30 : memref<1001x64xf32, #tpu.memory_space<vmem_shared>>)
    } else {
    }
    %dma_start3A = tpu.memref_slice %arg7[%mul3A_2] : memref<16384xi32, #tpu.memory_space<hbm>> -> memref<512xi32, #tpu.memory_space<hbm>>
    %dma_start3A_5 = tpu.memref_slice %arg7[%mul3A_2] : memref<16384xi32, #tpu.memory_space<hbm>> -> memref<512xi32, #tpu.memory_space<hbm>>
    tpu.enqueue_dma source(%dma_start3A_5 : memref<512xi32, #tpu.memory_space<hbm>>) target(%arg19 : memref<512xi32, #tpu.memory_space<vmem>>) target_semaphore(%arg31 : memref<!tpu.dma_semaphore, #tpu.memory_space<semaphore_mem>>)
    %dma_start3A_6 = tpu.memref_slice %arg8[%mul3A_2] : memref<16384xi32, #tpu.memory_space<hbm>> -> memref<512xi32, #tpu.memory_space<hbm>>
    %dma_start3A_7 = tpu.memref_slice %arg8[%mul3A_2] : memref<16384xi32, #tpu.memory_space<hbm>> -> memref<512xi32, #tpu.memory_space<hbm>>
    tpu.enqueue_dma source(%dma_start3A_7 : memref<512xi32, #tpu.memory_space<hbm>>) target(%arg20 : memref<512xi32, #tpu.memory_space<vmem>>) target_semaphore(%arg31 : memref<!tpu.dma_semaphore, #tpu.memory_space<semaphore_mem>>)
    %dma_start3A_8 = tpu.memref_slice %arg10[%mul3A_2] : memref<16384xi32, #tpu.memory_space<hbm>> -> memref<512xi32, #tpu.memory_space<hbm>>
    %dma_start3A_9 = tpu.memref_slice %arg10[%mul3A_2] : memref<16384xi32, #tpu.memory_space<hbm>> -> memref<512xi32, #tpu.memory_space<hbm>>
    tpu.enqueue_dma source(%dma_start3A_9 : memref<512xi32, #tpu.memory_space<hbm>>) target(%arg21 : memref<512xi32, #tpu.memory_space<vmem>>) target_semaphore(%arg31 : memref<!tpu.dma_semaphore, #tpu.memory_space<semaphore_mem>>)
    %dma_start3A_10 = tpu.memref_slice %arg9[%mul3A_2] : memref<16384xi32, #tpu.memory_space<hbm>> -> memref<512xi32, #tpu.memory_space<hbm>>
    %dma_start3A_11 = tpu.memref_slice %arg9[%mul3A_2] : memref<16384xi32, #tpu.memory_space<hbm>> -> memref<512xi32, #tpu.memory_space<hbm>>
    tpu.enqueue_dma source(%dma_start3A_11 : memref<512xi32, #tpu.memory_space<hbm>>) target(%arg22 : memref<512xi32, #tpu.memory_space<vmem>>) target_semaphore(%arg31 : memref<!tpu.dma_semaphore, #tpu.memory_space<semaphore_mem>>)
    %dma_start3A_12 = tpu.memref_slice %arg11[%mul3A_2] : memref<16384xi32, #tpu.memory_space<hbm>> -> memref<512xi32, #tpu.memory_space<hbm>>
    %dma_start3A_13 = tpu.memref_slice %arg11[%mul3A_2] : memref<16384xi32, #tpu.memory_space<hbm>> -> memref<512xi32, #tpu.memory_space<hbm>>
    tpu.enqueue_dma source(%dma_start3A_13 : memref<512xi32, #tpu.memory_space<hbm>>) target(%arg23 : memref<512xi32, #tpu.memory_space<vmem>>) target_semaphore(%arg31 : memref<!tpu.dma_semaphore, #tpu.memory_space<semaphore_mem>>)
    %dma_start3A_14 = tpu.memref_slice %arg12[%mul3A_2] : memref<16384xi32, #tpu.memory_space<hbm>> -> memref<512xi32, #tpu.memory_space<hbm>>
    %dma_start3A_15 = tpu.memref_slice %arg12[%mul3A_2] : memref<16384xi32, #tpu.memory_space<hbm>> -> memref<512xi32, #tpu.memory_space<hbm>>
    tpu.enqueue_dma source(%dma_start3A_15 : memref<512xi32, #tpu.memory_space<hbm>>) target(%arg24 : memref<512xi32, #tpu.memory_space<vmem>>) target_semaphore(%arg31 : memref<!tpu.dma_semaphore, #tpu.memory_space<semaphore_mem>>)
    %dma_wait3A = tpu.memref_slice %arg7[%mul3A_2] : memref<16384xi32, #tpu.memory_space<hbm>> -> memref<512xi32, #tpu.memory_space<hbm>>
    %dma_wait3A_16 = tpu.memref_slice %arg7[%mul3A_2] : memref<16384xi32, #tpu.memory_space<hbm>> -> memref<512xi32, #tpu.memory_space<hbm>>
    tpu.wait_dma2 semaphore(%arg31 : memref<!tpu.dma_semaphore, #tpu.memory_space<semaphore_mem>>) src(%dma_wait3A_16 : memref<512xi32, #tpu.memory_space<hbm>>) dst(%arg19 : memref<512xi32, #tpu.memory_space<vmem>>)
    %dma_wait3A_17 = tpu.memref_slice %arg8[%mul3A_2] : memref<16384xi32, #tpu.memory_space<hbm>> -> memref<512xi32, #tpu.memory_space<hbm>>
    %dma_wait3A_18 = tpu.memref_slice %arg8[%mul3A_2] : memref<16384xi32, #tpu.memory_space<hbm>> -> memref<512xi32, #tpu.memory_space<hbm>>
    tpu.wait_dma2 semaphore(%arg31 : memref<!tpu.dma_semaphore, #tpu.memory_space<semaphore_mem>>) src(%dma_wait3A_18 : memref<512xi32, #tpu.memory_space<hbm>>) dst(%arg20 : memref<512xi32, #tpu.memory_space<vmem>>)
    %dma_wait3A_19 = tpu.memref_slice %arg10[%mul3A_2] : memref<16384xi32, #tpu.memory_space<hbm>> -> memref<512xi32, #tpu.memory_space<hbm>>
    %dma_wait3A_20 = tpu.memref_slice %arg10[%mul3A_2] : memref<16384xi32, #tpu.memory_space<hbm>> -> memref<512xi32, #tpu.memory_space<hbm>>
    tpu.wait_dma2 semaphore(%arg31 : memref<!tpu.dma_semaphore, #tpu.memory_space<semaphore_mem>>) src(%dma_wait3A_20 : memref<512xi32, #tpu.memory_space<hbm>>) dst(%arg21 : memref<512xi32, #tpu.memory_space<vmem>>)
    %dma_wait3A_21 = tpu.memref_slice %arg9[%mul3A_2] : memref<16384xi32, #tpu.memory_space<hbm>> -> memref<512xi32, #tpu.memory_space<hbm>>
    %dma_wait3A_22 = tpu.memref_slice %arg9[%mul3A_2] : memref<16384xi32, #tpu.memory_space<hbm>> -> memref<512xi32, #tpu.memory_space<hbm>>
    tpu.wait_dma2 semaphore(%arg31 : memref<!tpu.dma_semaphore, #tpu.memory_space<semaphore_mem>>) src(%dma_wait3A_22 : memref<512xi32, #tpu.memory_space<hbm>>) dst(%arg22 : memref<512xi32, #tpu.memory_space<vmem>>)
    %dma_wait3A_23 = tpu.memref_slice %arg11[%mul3A_2] : memref<16384xi32, #tpu.memory_space<hbm>> -> memref<512xi32, #tpu.memory_space<hbm>>
    %dma_wait3A_24 = tpu.memref_slice %arg11[%mul3A_2] : memref<16384xi32, #tpu.memory_space<hbm>> -> memref<512xi32, #tpu.memory_space<hbm>>
    tpu.wait_dma2 semaphore(%arg31 : memref<!tpu.dma_semaphore, #tpu.memory_space<semaphore_mem>>) src(%dma_wait3A_24 : memref<512xi32, #tpu.memory_space<hbm>>) dst(%arg23 : memref<512xi32, #tpu.memory_space<vmem>>)
    %dma_wait3A_25 = tpu.memref_slice %arg12[%mul3A_2] : memref<16384xi32, #tpu.memory_space<hbm>> -> memref<512xi32, #tpu.memory_space<hbm>>
    %dma_wait3A_26 = tpu.memref_slice %arg12[%mul3A_2] : memref<16384xi32, #tpu.memory_space<hbm>> -> memref<512xi32, #tpu.memory_space<hbm>>
    tpu.wait_dma2 semaphore(%arg31 : memref<!tpu.dma_semaphore, #tpu.memory_space<semaphore_mem>>) src(%dma_wait3A_26 : memref<512xi32, #tpu.memory_space<hbm>>) dst(%arg24 : memref<512xi32, #tpu.memory_space<vmem>>)
    %barrier3A = arith.constant 0 : index
    tpu.barrier barrier_id(%barrier3A)
    %dma_start3A_27 = arith.constant 0 : i32
    %dma_start3A_28 = arith.constant 0 : i32
    %dma_start3A_29 = tpu.memref_slice %arg2[%dma_start3A_27, %dma_start3A_28] : memref<100001x64xf32, #tpu.memory_space<hbm>> -> memref<100001x64xf32, #tpu.memory_space<hbm>>
    tpu.enqueue_indirect_dma source(%dma_start3A_29 : memref<100001x64xf32, #tpu.memory_space<hbm>>) target(%arg25 : memref<512x64xf32, #tpu.memory_space<vmem>>) offsets(%arg19 : memref<512xi32, #tpu.memory_space<vmem>>) semaphore(%arg35 : memref<!tpu.dma_semaphore, #tpu.memory_space<semaphore_mem>>)
    %dma_start3A_30 = arith.constant 0 : i32
    %dma_start3A_31 = tpu.memref_slice %arg20[%dma_start3A_30] : memref<512xi32, #tpu.memory_space<vmem>> -> memref<256xi32, #tpu.memory_space<vmem>>
    %dma_start3A_32 = arith.constant 0 : i32
    %dma_start3A_33 = arith.constant 0 : i32
    %dma_start3A_34 = tpu.memref_slice %arg27[%dma_start3A_32, %dma_start3A_33] : memref<4x64xf32, #tpu.memory_space<vmem_shared>> -> memref<4x64xf32, #tpu.memory_space<vmem_shared>>
    tpu.enqueue_indirect_dma source(%dma_start3A_34 : memref<4x64xf32, #tpu.memory_space<vmem_shared>>) target(%arg26 : memref<256x64xf32, #tpu.memory_space<vmem>>) offsets(%dma_start3A_31 : memref<256xi32, #tpu.memory_space<vmem>>) semaphore(%arg33 : memref<!tpu.dma_semaphore, #tpu.memory_space<semaphore_mem>>)
    %dma_wait3A_35 = arith.constant 0 : i32
    %dma_wait3A_36 = tpu.memref_slice %arg20[%dma_wait3A_35] : memref<512xi32, #tpu.memory_space<vmem>> -> memref<256xi32, #tpu.memory_space<vmem>>
    %dma_wait3A_37 = arith.constant 0 : i32
    %dma_wait3A_38 = arith.constant 0 : i32
    %dma_wait3A_39 = tpu.memref_slice %arg27[%dma_wait3A_37, %dma_wait3A_38] : memref<4x64xf32, #tpu.memory_space<vmem_shared>> -> memref<4x64xf32, #tpu.memory_space<vmem_shared>>
    tpu.wait_indirect_dma semaphore(%arg33 : memref<!tpu.dma_semaphore, #tpu.memory_space<semaphore_mem>>) src(%dma_wait3A_39 : memref<4x64xf32, #tpu.memory_space<vmem_shared>>) dst(%arg26 : memref<256x64xf32, #tpu.memory_space<vmem>>)
    %add3A_40 = arith.constant 0 : i32
    %add3A_41 = arith.addi %mul3A_2, %add3A_40 : i32
    %dma_start3A_42 = arith.constant 0 : i32
    %dma_start3A_43 = tpu.memref_slice %arg14[%add3A_41, %dma_start3A_42] : memref<16384x64xf32, #tpu.memory_space<hbm>> -> memref<256x64xf32, #tpu.memory_space<hbm>>
    %dma_start3A_44 = arith.constant 0 : i32
    %dma_start3A_45 = tpu.memref_slice %arg14[%add3A_41, %dma_start3A_44] : memref<16384x64xf32, #tpu.memory_space<hbm>> -> memref<256x64xf32, #tpu.memory_space<hbm>>
    tpu.enqueue_dma source(%arg26 : memref<256x64xf32, #tpu.memory_space<vmem>>) target(%dma_start3A_45 : memref<256x64xf32, #tpu.memory_space<hbm>>) target_semaphore(%arg34 : memref<!tpu.dma_semaphore, #tpu.memory_space<semaphore_mem>>)
    %dma_wait3A_46 = arith.constant 0 : i32
    %dma_wait3A_47 = tpu.memref_slice %arg14[%add3A_41, %dma_wait3A_46] : memref<16384x64xf32, #tpu.memory_space<hbm>> -> memref<256x64xf32, #tpu.memory_space<hbm>>
    %dma_wait3A_48 = arith.constant 0 : i32
    %dma_wait3A_49 = tpu.memref_slice %arg14[%add3A_41, %dma_wait3A_48] : memref<16384x64xf32, #tpu.memory_space<hbm>> -> memref<256x64xf32, #tpu.memory_space<hbm>>
    tpu.wait_dma2 semaphore(%arg34 : memref<!tpu.dma_semaphore, #tpu.memory_space<semaphore_mem>>) src(%arg26 : memref<256x64xf32, #tpu.memory_space<vmem>>) dst(%dma_wait3A_49 : memref<256x64xf32, #tpu.memory_space<hbm>>)
    %dma_start3A_50 = arith.constant 256 : i32
    %dma_start3A_51 = tpu.memref_slice %arg20[%dma_start3A_50] : memref<512xi32, #tpu.memory_space<vmem>> -> memref<256xi32, #tpu.memory_space<vmem>>
    %dma_start3A_52 = arith.constant 0 : i32
    %dma_start3A_53 = arith.constant 0 : i32
    %dma_start3A_54 = tpu.memref_slice %arg27[%dma_start3A_52, %dma_start3A_53] : memref<4x64xf32, #tpu.memory_space<vmem_shared>> -> memref<4x64xf32, #tpu.memory_space<vmem_shared>>
    tpu.enqueue_indirect_dma source(%dma_start3A_54 : memref<4x64xf32, #tpu.memory_space<vmem_shared>>) target(%arg26 : memref<256x64xf32, #tpu.memory_space<vmem>>) offsets(%dma_start3A_51 : memref<256xi32, #tpu.memory_space<vmem>>) semaphore(%arg33 : memref<!tpu.dma_semaphore, #tpu.memory_space<semaphore_mem>>)
    %dma_wait3A_55 = arith.constant 256 : i32
    %dma_wait3A_56 = tpu.memref_slice %arg20[%dma_wait3A_55] : memref<512xi32, #tpu.memory_space<vmem>> -> memref<256xi32, #tpu.memory_space<vmem>>
    %dma_wait3A_57 = arith.constant 0 : i32
    %dma_wait3A_58 = arith.constant 0 : i32
    %dma_wait3A_59 = tpu.memref_slice %arg27[%dma_wait3A_57, %dma_wait3A_58] : memref<4x64xf32, #tpu.memory_space<vmem_shared>> -> memref<4x64xf32, #tpu.memory_space<vmem_shared>>
    tpu.wait_indirect_dma semaphore(%arg33 : memref<!tpu.dma_semaphore, #tpu.memory_space<semaphore_mem>>) src(%dma_wait3A_59 : memref<4x64xf32, #tpu.memory_space<vmem_shared>>) dst(%arg26 : memref<256x64xf32, #tpu.memory_space<vmem>>)
    %add3A_60 = arith.constant 256 : i32
    %add3A_61 = arith.addi %mul3A_2, %add3A_60 : i32
    %dma_start3A_62 = arith.constant 0 : i32
    %dma_start3A_63 = tpu.memref_slice %arg14[%add3A_61, %dma_start3A_62] : memref<16384x64xf32, #tpu.memory_space<hbm>> -> memref<256x64xf32, #tpu.memory_space<hbm>>
    %dma_start3A_64 = arith.constant 0 : i32
    %dma_start3A_65 = tpu.memref_slice %arg14[%add3A_61, %dma_start3A_64] : memref<16384x64xf32, #tpu.memory_space<hbm>> -> memref<256x64xf32, #tpu.memory_space<hbm>>
    tpu.enqueue_dma source(%arg26 : memref<256x64xf32, #tpu.memory_space<vmem>>) target(%dma_start3A_65 : memref<256x64xf32, #tpu.memory_space<hbm>>) target_semaphore(%arg34 : memref<!tpu.dma_semaphore, #tpu.memory_space<semaphore_mem>>)
    %dma_wait3A_66 = arith.constant 0 : i32
    %dma_wait3A_67 = tpu.memref_slice %arg14[%add3A_61, %dma_wait3A_66] : memref<16384x64xf32, #tpu.memory_space<hbm>> -> memref<256x64xf32, #tpu.memory_space<hbm>>
    %dma_wait3A_68 = arith.constant 0 : i32
    %dma_wait3A_69 = tpu.memref_slice %arg14[%add3A_61, %dma_wait3A_68] : memref<16384x64xf32, #tpu.memory_space<hbm>> -> memref<256x64xf32, #tpu.memory_space<hbm>>
    tpu.wait_dma2 semaphore(%arg34 : memref<!tpu.dma_semaphore, #tpu.memory_space<semaphore_mem>>) src(%arg26 : memref<256x64xf32, #tpu.memory_space<vmem>>) dst(%dma_wait3A_69 : memref<256x64xf32, #tpu.memory_space<hbm>>)
    %dma_start3A_70 = arith.constant 0 : i32
    %dma_start3A_71 = tpu.memref_slice %arg21[%dma_start3A_70] : memref<512xi32, #tpu.memory_space<vmem>> -> memref<256xi32, #tpu.memory_space<vmem>>
    %dma_start3A_72 = arith.constant 0 : i32
    %dma_start3A_73 = arith.constant 0 : i32
    %dma_start3A_74 = tpu.memref_slice %arg28[%dma_start3A_72, %dma_start3A_73] : memref<201x64xf32, #tpu.memory_space<vmem_shared>> -> memref<201x64xf32, #tpu.memory_space<vmem_shared>>
    tpu.enqueue_indirect_dma source(%dma_start3A_74 : memref<201x64xf32, #tpu.memory_space<vmem_shared>>) target(%arg26 : memref<256x64xf32, #tpu.memory_space<vmem>>) offsets(%dma_start3A_71 : memref<256xi32, #tpu.memory_space<vmem>>) semaphore(%arg33 : memref<!tpu.dma_semaphore, #tpu.memory_space<semaphore_mem>>)
    %dma_wait3A_75 = arith.constant 0 : i32
    %dma_wait3A_76 = tpu.memref_slice %arg21[%dma_wait3A_75] : memref<512xi32, #tpu.memory_space<vmem>> -> memref<256xi32, #tpu.memory_space<vmem>>
    %dma_wait3A_77 = arith.constant 0 : i32
    %dma_wait3A_78 = arith.constant 0 : i32
    %dma_wait3A_79 = tpu.memref_slice %arg28[%dma_wait3A_77, %dma_wait3A_78] : memref<201x64xf32, #tpu.memory_space<vmem_shared>> -> memref<201x64xf32, #tpu.memory_space<vmem_shared>>
    tpu.wait_indirect_dma semaphore(%arg33 : memref<!tpu.dma_semaphore, #tpu.memory_space<semaphore_mem>>) src(%dma_wait3A_79 : memref<201x64xf32, #tpu.memory_space<vmem_shared>>) dst(%arg26 : memref<256x64xf32, #tpu.memory_space<vmem>>)
    %add3A_80 = arith.constant 0 : i32
    %add3A_81 = arith.addi %mul3A_2, %add3A_80 : i32
    %dma_start3A_82 = arith.constant 0 : i32
    %dma_start3A_83 = tpu.memref_slice %arg16[%add3A_81, %dma_start3A_82] : memref<16384x64xf32, #tpu.memory_space<hbm>> -> memref<256x64xf32, #tpu.memory_space<hbm>>
    %dma_start3A_84 = arith.constant 0 : i32
    %dma_start3A_85 = tpu.memref_slice %arg16[%add3A_81, %dma_start3A_84] : memref<16384x64xf32, #tpu.memory_space<hbm>> -> memref<256x64xf32, #tpu.memory_space<hbm>>
    tpu.enqueue_dma source(%arg26 : memref<256x64xf32, #tpu.memory_space<vmem>>) target(%dma_start3A_85 : memref<256x64xf32, #tpu.memory_space<hbm>>) target_semaphore(%arg34 : memref<!tpu.dma_semaphore, #tpu.memory_space<semaphore_mem>>)
    %dma_wait3A_86 = arith.constant 0 : i32
    %dma_wait3A_87 = tpu.memref_slice %arg16[%add3A_81, %dma_wait3A_86] : memref<16384x64xf32, #tpu.memory_space<hbm>> -> memref<256x64xf32, #tpu.memory_space<hbm>>
    %dma_wait3A_88 = arith.constant 0 : i32
    %dma_wait3A_89 = tpu.memref_slice %arg16[%add3A_81, %dma_wait3A_88] : memref<16384x64xf32, #tpu.memory_space<hbm>> -> memref<256x64xf32, #tpu.memory_space<hbm>>
    tpu.wait_dma2 semaphore(%arg34 : memref<!tpu.dma_semaphore, #tpu.memory_space<semaphore_mem>>) src(%arg26 : memref<256x64xf32, #tpu.memory_space<vmem>>) dst(%dma_wait3A_89 : memref<256x64xf32, #tpu.memory_space<hbm>>)
    %dma_start3A_90 = arith.constant 256 : i32
    %dma_start3A_91 = tpu.memref_slice %arg21[%dma_start3A_90] : memref<512xi32, #tpu.memory_space<vmem>> -> memref<256xi32, #tpu.memory_space<vmem>>
    %dma_start3A_92 = arith.constant 0 : i32
    %dma_start3A_93 = arith.constant 0 : i32
    %dma_start3A_94 = tpu.memref_slice %arg28[%dma_start3A_92, %dma_start3A_93] : memref<201x64xf32, #tpu.memory_space<vmem_shared>> -> memref<201x64xf32, #tpu.memory_space<vmem_shared>>
    tpu.enqueue_indirect_dma source(%dma_start3A_94 : memref<201x64xf32, #tpu.memory_space<vmem_shared>>) target(%arg26 : memref<256x64xf32, #tpu.memory_space<vmem>>) offsets(%dma_start3A_91 : memref<256xi32, #tpu.memory_space<vmem>>) semaphore(%arg33 : memref<!tpu.dma_semaphore, #tpu.memory_space<semaphore_mem>>)
    %dma_wait3A_95 = arith.constant 256 : i32
    %dma_wait3A_96 = tpu.memref_slice %arg21[%dma_wait3A_95] : memref<512xi32, #tpu.memory_space<vmem>> -> memref<256xi32, #tpu.memory_space<vmem>>
    %dma_wait3A_97 = arith.constant 0 : i32
    %dma_wait3A_98 = arith.constant 0 : i32
    %dma_wait3A_99 = tpu.memref_slice %arg28[%dma_wait3A_97, %dma_wait3A_98] : memref<201x64xf32, #tpu.memory_space<vmem_shared>> -> memref<201x64xf32, #tpu.memory_space<vmem_shared>>
    tpu.wait_indirect_dma semaphore(%arg33 : memref<!tpu.dma_semaphore, #tpu.memory_space<semaphore_mem>>) src(%dma_wait3A_99 : memref<201x64xf32, #tpu.memory_space<vmem_shared>>) dst(%arg26 : memref<256x64xf32, #tpu.memory_space<vmem>>)
    %add3A_100 = arith.constant 256 : i32
    %add3A_101 = arith.addi %mul3A_2, %add3A_100 : i32
    %dma_start3A_102 = arith.constant 0 : i32
    %dma_start3A_103 = tpu.memref_slice %arg16[%add3A_101, %dma_start3A_102] : memref<16384x64xf32, #tpu.memory_space<hbm>> -> memref<256x64xf32, #tpu.memory_space<hbm>>
    %dma_start3A_104 = arith.constant 0 : i32
    %dma_start3A_105 = tpu.memref_slice %arg16[%add3A_101, %dma_start3A_104] : memref<16384x64xf32, #tpu.memory_space<hbm>> -> memref<256x64xf32, #tpu.memory_space<hbm>>
    tpu.enqueue_dma source(%arg26 : memref<256x64xf32, #tpu.memory_space<vmem>>) target(%dma_start3A_105 : memref<256x64xf32, #tpu.memory_space<hbm>>) target_semaphore(%arg34 : memref<!tpu.dma_semaphore, #tpu.memory_space<semaphore_mem>>)
    %dma_wait3A_106 = arith.constant 0 : i32
    %dma_wait3A_107 = tpu.memref_slice %arg16[%add3A_101, %dma_wait3A_106] : memref<16384x64xf32, #tpu.memory_space<hbm>> -> memref<256x64xf32, #tpu.memory_space<hbm>>
    %dma_wait3A_108 = arith.constant 0 : i32
    %dma_wait3A_109 = tpu.memref_slice %arg16[%add3A_101, %dma_wait3A_108] : memref<16384x64xf32, #tpu.memory_space<hbm>> -> memref<256x64xf32, #tpu.memory_space<hbm>>
    tpu.wait_dma2 semaphore(%arg34 : memref<!tpu.dma_semaphore, #tpu.memory_space<semaphore_mem>>) src(%arg26 : memref<256x64xf32, #tpu.memory_space<vmem>>) dst(%dma_wait3A_109 : memref<256x64xf32, #tpu.memory_space<hbm>>)
    %dma_start3A_110 = arith.constant 0 : i32
    %dma_start3A_111 = tpu.memref_slice %arg22[%dma_start3A_110] : memref<512xi32, #tpu.memory_space<vmem>> -> memref<256xi32, #tpu.memory_space<vmem>>
    %dma_start3A_112 = arith.constant 0 : i32
    %dma_start3A_113 = arith.constant 0 : i32
    %dma_start3A_114 = tpu.memref_slice %arg29[%dma_start3A_112, %dma_start3A_113] : memref<1001x64xf32, #tpu.memory_space<vmem_shared>> -> memref<1001x64xf32, #tpu.memory_space<vmem_shared>>
    tpu.enqueue_indirect_dma source(%dma_start3A_114 : memref<1001x64xf32, #tpu.memory_space<vmem_shared>>) target(%arg26 : memref<256x64xf32, #tpu.memory_space<vmem>>) offsets(%dma_start3A_111 : memref<256xi32, #tpu.memory_space<vmem>>) semaphore(%arg33 : memref<!tpu.dma_semaphore, #tpu.memory_space<semaphore_mem>>)
    %dma_wait3A_115 = arith.constant 0 : i32
    %dma_wait3A_116 = tpu.memref_slice %arg22[%dma_wait3A_115] : memref<512xi32, #tpu.memory_space<vmem>> -> memref<256xi32, #tpu.memory_space<vmem>>
    %dma_wait3A_117 = arith.constant 0 : i32
    %dma_wait3A_118 = arith.constant 0 : i32
    %dma_wait3A_119 = tpu.memref_slice %arg29[%dma_wait3A_117, %dma_wait3A_118] : memref<1001x64xf32, #tpu.memory_space<vmem_shared>> -> memref<1001x64xf32, #tpu.memory_space<vmem_shared>>
    tpu.wait_indirect_dma semaphore(%arg33 : memref<!tpu.dma_semaphore, #tpu.memory_space<semaphore_mem>>) src(%dma_wait3A_119 : memref<1001x64xf32, #tpu.memory_space<vmem_shared>>) dst(%arg26 : memref<256x64xf32, #tpu.memory_space<vmem>>)
    %add3A_120 = arith.constant 0 : i32
    %add3A_121 = arith.addi %mul3A_2, %add3A_120 : i32
    %dma_start3A_122 = arith.constant 0 : i32
    %dma_start3A_123 = tpu.memref_slice %arg15[%add3A_121, %dma_start3A_122] : memref<16384x64xf32, #tpu.memory_space<hbm>> -> memref<256x64xf32, #tpu.memory_space<hbm>>
    %dma_start3A_124 = arith.constant 0 : i32
    %dma_start3A_125 = tpu.memref_slice %arg15[%add3A_121, %dma_start3A_124] : memref<16384x64xf32, #tpu.memory_space<hbm>> -> memref<256x64xf32, #tpu.memory_space<hbm>>
    tpu.enqueue_dma source(%arg26 : memref<256x64xf32, #tpu.memory_space<vmem>>) target(%dma_start3A_125 : memref<256x64xf32, #tpu.memory_space<hbm>>) target_semaphore(%arg34 : memref<!tpu.dma_semaphore, #tpu.memory_space<semaphore_mem>>)
    %dma_wait3A_126 = arith.constant 0 : i32
    %dma_wait3A_127 = tpu.memref_slice %arg15[%add3A_121, %dma_wait3A_126] : memref<16384x64xf32, #tpu.memory_space<hbm>> -> memref<256x64xf32, #tpu.memory_space<hbm>>
    %dma_wait3A_128 = arith.constant 0 : i32
    %dma_wait3A_129 = tpu.memref_slice %arg15[%add3A_121, %dma_wait3A_128] : memref<16384x64xf32, #tpu.memory_space<hbm>> -> memref<256x64xf32, #tpu.memory_space<hbm>>
    tpu.wait_dma2 semaphore(%arg34 : memref<!tpu.dma_semaphore, #tpu.memory_space<semaphore_mem>>) src(%arg26 : memref<256x64xf32, #tpu.memory_space<vmem>>) dst(%dma_wait3A_129 : memref<256x64xf32, #tpu.memory_space<hbm>>)
    %dma_start3A_130 = arith.constant 256 : i32
    %dma_start3A_131 = tpu.memref_slice %arg22[%dma_start3A_130] : memref<512xi32, #tpu.memory_space<vmem>> -> memref<256xi32, #tpu.memory_space<vmem>>
    %dma_start3A_132 = arith.constant 0 : i32
    %dma_start3A_133 = arith.constant 0 : i32
    %dma_start3A_134 = tpu.memref_slice %arg29[%dma_start3A_132, %dma_start3A_133] : memref<1001x64xf32, #tpu.memory_space<vmem_shared>> -> memref<1001x64xf32, #tpu.memory_space<vmem_shared>>
    tpu.enqueue_indirect_dma source(%dma_start3A_134 : memref<1001x64xf32, #tpu.memory_space<vmem_shared>>) target(%arg26 : memref<256x64xf32, #tpu.memory_space<vmem>>) offsets(%dma_start3A_131 : memref<256xi32, #tpu.memory_space<vmem>>) semaphore(%arg33 : memref<!tpu.dma_semaphore, #tpu.memory_space<semaphore_mem>>)
    %dma_wait3A_135 = arith.constant 256 : i32
    %dma_wait3A_136 = tpu.memref_slice %arg22[%dma_wait3A_135] : memref<512xi32, #tpu.memory_space<vmem>> -> memref<256xi32, #tpu.memory_space<vmem>>
    %dma_wait3A_137 = arith.constant 0 : i32
    %dma_wait3A_138 = arith.constant 0 : i32
    %dma_wait3A_139 = tpu.memref_slice %arg29[%dma_wait3A_137, %dma_wait3A_138] : memref<1001x64xf32, #tpu.memory_space<vmem_shared>> -> memref<1001x64xf32, #tpu.memory_space<vmem_shared>>
    tpu.wait_indirect_dma semaphore(%arg33 : memref<!tpu.dma_semaphore, #tpu.memory_space<semaphore_mem>>) src(%dma_wait3A_139 : memref<1001x64xf32, #tpu.memory_space<vmem_shared>>) dst(%arg26 : memref<256x64xf32, #tpu.memory_space<vmem>>)
    %add3A_140 = arith.constant 256 : i32
    %add3A_141 = arith.addi %mul3A_2, %add3A_140 : i32
    %dma_start3A_142 = arith.constant 0 : i32
    %dma_start3A_143 = tpu.memref_slice %arg15[%add3A_141, %dma_start3A_142] : memref<16384x64xf32, #tpu.memory_space<hbm>> -> memref<256x64xf32, #tpu.memory_space<hbm>>
    %dma_start3A_144 = arith.constant 0 : i32
    %dma_start3A_145 = tpu.memref_slice %arg15[%add3A_141, %dma_start3A_144] : memref<16384x64xf32, #tpu.memory_space<hbm>> -> memref<256x64xf32, #tpu.memory_space<hbm>>
    tpu.enqueue_dma source(%arg26 : memref<256x64xf32, #tpu.memory_space<vmem>>) target(%dma_start3A_145 : memref<256x64xf32, #tpu.memory_space<hbm>>) target_semaphore(%arg34 : memref<!tpu.dma_semaphore, #tpu.memory_space<semaphore_mem>>)
    %dma_wait3A_146 = arith.constant 0 : i32
    %dma_wait3A_147 = tpu.memref_slice %arg15[%add3A_141, %dma_wait3A_146] : memref<16384x64xf32, #tpu.memory_space<hbm>> -> memref<256x64xf32, #tpu.memory_space<hbm>>
    %dma_wait3A_148 = arith.constant 0 : i32
    %dma_wait3A_149 = tpu.memref_slice %arg15[%add3A_141, %dma_wait3A_148] : memref<16384x64xf32, #tpu.memory_space<hbm>> -> memref<256x64xf32, #tpu.memory_space<hbm>>
    tpu.wait_dma2 semaphore(%arg34 : memref<!tpu.dma_semaphore, #tpu.memory_space<semaphore_mem>>) src(%arg26 : memref<256x64xf32, #tpu.memory_space<vmem>>) dst(%dma_wait3A_149 : memref<256x64xf32, #tpu.memory_space<hbm>>)
    %dma_start3A_150 = arith.constant 0 : i32
    %dma_start3A_151 = tpu.memref_slice %arg23[%dma_start3A_150] : memref<512xi32, #tpu.memory_space<vmem>> -> memref<256xi32, #tpu.memory_space<vmem>>
    %dma_start3A_152 = arith.constant 0 : i32
    %dma_start3A_153 = arith.constant 0 : i32
    %dma_start3A_154 = tpu.memref_slice %arg30[%dma_start3A_152, %dma_start3A_153] : memref<1001x64xf32, #tpu.memory_space<vmem_shared>> -> memref<1001x64xf32, #tpu.memory_space<vmem_shared>>
    tpu.enqueue_indirect_dma source(%dma_start3A_154 : memref<1001x64xf32, #tpu.memory_space<vmem_shared>>) target(%arg26 : memref<256x64xf32, #tpu.memory_space<vmem>>) offsets(%dma_start3A_151 : memref<256xi32, #tpu.memory_space<vmem>>) semaphore(%arg33 : memref<!tpu.dma_semaphore, #tpu.memory_space<semaphore_mem>>)
    %dma_wait3A_155 = arith.constant 0 : i32
    %dma_wait3A_156 = tpu.memref_slice %arg23[%dma_wait3A_155] : memref<512xi32, #tpu.memory_space<vmem>> -> memref<256xi32, #tpu.memory_space<vmem>>
    %dma_wait3A_157 = arith.constant 0 : i32
    %dma_wait3A_158 = arith.constant 0 : i32
    %dma_wait3A_159 = tpu.memref_slice %arg30[%dma_wait3A_157, %dma_wait3A_158] : memref<1001x64xf32, #tpu.memory_space<vmem_shared>> -> memref<1001x64xf32, #tpu.memory_space<vmem_shared>>
    tpu.wait_indirect_dma semaphore(%arg33 : memref<!tpu.dma_semaphore, #tpu.memory_space<semaphore_mem>>) src(%dma_wait3A_159 : memref<1001x64xf32, #tpu.memory_space<vmem_shared>>) dst(%arg26 : memref<256x64xf32, #tpu.memory_space<vmem>>)
    %add3A_160 = arith.constant 0 : i32
    %add3A_161 = arith.addi %mul3A_2, %add3A_160 : i32
    %dma_start3A_162 = arith.constant 0 : i32
    %dma_start3A_163 = tpu.memref_slice %arg17[%add3A_161, %dma_start3A_162] : memref<16384x64xf32, #tpu.memory_space<hbm>> -> memref<256x64xf32, #tpu.memory_space<hbm>>
    %dma_start3A_164 = arith.constant 0 : i32
    %dma_start3A_165 = tpu.memref_slice %arg17[%add3A_161, %dma_start3A_164] : memref<16384x64xf32, #tpu.memory_space<hbm>> -> memref<256x64xf32, #tpu.memory_space<hbm>>
    tpu.enqueue_dma source(%arg26 : memref<256x64xf32, #tpu.memory_space<vmem>>) target(%dma_start3A_165 : memref<256x64xf32, #tpu.memory_space<hbm>>) target_semaphore(%arg34 : memref<!tpu.dma_semaphore, #tpu.memory_space<semaphore_mem>>)
    %dma_wait3A_166 = arith.constant 0 : i32
    %dma_wait3A_167 = tpu.memref_slice %arg17[%add3A_161, %dma_wait3A_166] : memref<16384x64xf32, #tpu.memory_space<hbm>> -> memref<256x64xf32, #tpu.memory_space<hbm>>
    %dma_wait3A_168 = arith.constant 0 : i32
    %dma_wait3A_169 = tpu.memref_slice %arg17[%add3A_161, %dma_wait3A_168] : memref<16384x64xf32, #tpu.memory_space<hbm>> -> memref<256x64xf32, #tpu.memory_space<hbm>>
    tpu.wait_dma2 semaphore(%arg34 : memref<!tpu.dma_semaphore, #tpu.memory_space<semaphore_mem>>) src(%arg26 : memref<256x64xf32, #tpu.memory_space<vmem>>) dst(%dma_wait3A_169 : memref<256x64xf32, #tpu.memory_space<hbm>>)
    %dma_start3A_170 = arith.constant 256 : i32
    %dma_start3A_171 = tpu.memref_slice %arg23[%dma_start3A_170] : memref<512xi32, #tpu.memory_space<vmem>> -> memref<256xi32, #tpu.memory_space<vmem>>
    %dma_start3A_172 = arith.constant 0 : i32
    %dma_start3A_173 = arith.constant 0 : i32
    %dma_start3A_174 = tpu.memref_slice %arg30[%dma_start3A_172, %dma_start3A_173] : memref<1001x64xf32, #tpu.memory_space<vmem_shared>> -> memref<1001x64xf32, #tpu.memory_space<vmem_shared>>
    tpu.enqueue_indirect_dma source(%dma_start3A_174 : memref<1001x64xf32, #tpu.memory_space<vmem_shared>>) target(%arg26 : memref<256x64xf32, #tpu.memory_space<vmem>>) offsets(%dma_start3A_171 : memref<256xi32, #tpu.memory_space<vmem>>) semaphore(%arg33 : memref<!tpu.dma_semaphore, #tpu.memory_space<semaphore_mem>>)
    %dma_wait3A_175 = arith.constant 256 : i32
    %dma_wait3A_176 = tpu.memref_slice %arg23[%dma_wait3A_175] : memref<512xi32, #tpu.memory_space<vmem>> -> memref<256xi32, #tpu.memory_space<vmem>>
    %dma_wait3A_177 = arith.constant 0 : i32
    %dma_wait3A_178 = arith.constant 0 : i32
    %dma_wait3A_179 = tpu.memref_slice %arg30[%dma_wait3A_177, %dma_wait3A_178] : memref<1001x64xf32, #tpu.memory_space<vmem_shared>> -> memref<1001x64xf32, #tpu.memory_space<vmem_shared>>
    tpu.wait_indirect_dma semaphore(%arg33 : memref<!tpu.dma_semaphore, #tpu.memory_space<semaphore_mem>>) src(%dma_wait3A_179 : memref<1001x64xf32, #tpu.memory_space<vmem_shared>>) dst(%arg26 : memref<256x64xf32, #tpu.memory_space<vmem>>)
    %add3A_180 = arith.constant 256 : i32
    %add3A_181 = arith.addi %mul3A_2, %add3A_180 : i32
    %dma_start3A_182 = arith.constant 0 : i32
    %dma_start3A_183 = tpu.memref_slice %arg17[%add3A_181, %dma_start3A_182] : memref<16384x64xf32, #tpu.memory_space<hbm>> -> memref<256x64xf32, #tpu.memory_space<hbm>>
    %dma_start3A_184 = arith.constant 0 : i32
    %dma_start3A_185 = tpu.memref_slice %arg17[%add3A_181, %dma_start3A_184] : memref<16384x64xf32, #tpu.memory_space<hbm>> -> memref<256x64xf32, #tpu.memory_space<hbm>>
    tpu.enqueue_dma source(%arg26 : memref<256x64xf32, #tpu.memory_space<vmem>>) target(%dma_start3A_185 : memref<256x64xf32, #tpu.memory_space<hbm>>) target_semaphore(%arg34 : memref<!tpu.dma_semaphore, #tpu.memory_space<semaphore_mem>>)
    %dma_wait3A_186 = arith.constant 0 : i32
    %dma_wait3A_187 = tpu.memref_slice %arg17[%add3A_181, %dma_wait3A_186] : memref<16384x64xf32, #tpu.memory_space<hbm>> -> memref<256x64xf32, #tpu.memory_space<hbm>>
    %dma_wait3A_188 = arith.constant 0 : i32
    %dma_wait3A_189 = tpu.memref_slice %arg17[%add3A_181, %dma_wait3A_188] : memref<16384x64xf32, #tpu.memory_space<hbm>> -> memref<256x64xf32, #tpu.memory_space<hbm>>
    tpu.wait_dma2 semaphore(%arg34 : memref<!tpu.dma_semaphore, #tpu.memory_space<semaphore_mem>>) src(%arg26 : memref<256x64xf32, #tpu.memory_space<vmem>>) dst(%dma_wait3A_189 : memref<256x64xf32, #tpu.memory_space<hbm>>)
    %dma_start3A_190 = arith.constant 0 : i32
    %dma_start3A_191 = tpu.memref_slice %arg24[%dma_start3A_190] : memref<512xi32, #tpu.memory_space<vmem>> -> memref<256xi32, #tpu.memory_space<vmem>>
    %dma_start3A_192 = arith.constant 0 : i32
    %dma_start3A_193 = arith.constant 0 : i32
    %dma_start3A_194 = tpu.memref_slice %arg30[%dma_start3A_192, %dma_start3A_193] : memref<1001x64xf32, #tpu.memory_space<vmem_shared>> -> memref<1001x64xf32, #tpu.memory_space<vmem_shared>>
    tpu.enqueue_indirect_dma source(%dma_start3A_194 : memref<1001x64xf32, #tpu.memory_space<vmem_shared>>) target(%arg26 : memref<256x64xf32, #tpu.memory_space<vmem>>) offsets(%dma_start3A_191 : memref<256xi32, #tpu.memory_space<vmem>>) semaphore(%arg33 : memref<!tpu.dma_semaphore, #tpu.memory_space<semaphore_mem>>)
    %dma_wait3A_195 = arith.constant 0 : i32
    %dma_wait3A_196 = tpu.memref_slice %arg24[%dma_wait3A_195] : memref<512xi32, #tpu.memory_space<vmem>> -> memref<256xi32, #tpu.memory_space<vmem>>
    %dma_wait3A_197 = arith.constant 0 : i32
    %dma_wait3A_198 = arith.constant 0 : i32
    %dma_wait3A_199 = tpu.memref_slice %arg30[%dma_wait3A_197, %dma_wait3A_198] : memref<1001x64xf32, #tpu.memory_space<vmem_shared>> -> memref<1001x64xf32, #tpu.memory_space<vmem_shared>>
    tpu.wait_indirect_dma semaphore(%arg33 : memref<!tpu.dma_semaphore, #tpu.memory_space<semaphore_mem>>) src(%dma_wait3A_199 : memref<1001x64xf32, #tpu.memory_space<vmem_shared>>) dst(%arg26 : memref<256x64xf32, #tpu.memory_space<vmem>>)
    %add3A_200 = arith.constant 0 : i32
    %add3A_201 = arith.addi %mul3A_2, %add3A_200 : i32
    %dma_start3A_202 = arith.constant 0 : i32
    %dma_start3A_203 = tpu.memref_slice %arg18[%add3A_201, %dma_start3A_202] : memref<16384x64xf32, #tpu.memory_space<hbm>> -> memref<256x64xf32, #tpu.memory_space<hbm>>
    %dma_start3A_204 = arith.constant 0 : i32
    %dma_start3A_205 = tpu.memref_slice %arg18[%add3A_201, %dma_start3A_204] : memref<16384x64xf32, #tpu.memory_space<hbm>> -> memref<256x64xf32, #tpu.memory_space<hbm>>
    tpu.enqueue_dma source(%arg26 : memref<256x64xf32, #tpu.memory_space<vmem>>) target(%dma_start3A_205 : memref<256x64xf32, #tpu.memory_space<hbm>>) target_semaphore(%arg34 : memref<!tpu.dma_semaphore, #tpu.memory_space<semaphore_mem>>)
    %dma_wait3A_206 = arith.constant 0 : i32
    %dma_wait3A_207 = tpu.memref_slice %arg18[%add3A_201, %dma_wait3A_206] : memref<16384x64xf32, #tpu.memory_space<hbm>> -> memref<256x64xf32, #tpu.memory_space<hbm>>
    %dma_wait3A_208 = arith.constant 0 : i32
    %dma_wait3A_209 = tpu.memref_slice %arg18[%add3A_201, %dma_wait3A_208] : memref<16384x64xf32, #tpu.memory_space<hbm>> -> memref<256x64xf32, #tpu.memory_space<hbm>>
    tpu.wait_dma2 semaphore(%arg34 : memref<!tpu.dma_semaphore, #tpu.memory_space<semaphore_mem>>) src(%arg26 : memref<256x64xf32, #tpu.memory_space<vmem>>) dst(%dma_wait3A_209 : memref<256x64xf32, #tpu.memory_space<hbm>>)
    %dma_start3A_210 = arith.constant 256 : i32
    %dma_start3A_211 = tpu.memref_slice %arg24[%dma_start3A_210] : memref<512xi32, #tpu.memory_space<vmem>> -> memref<256xi32, #tpu.memory_space<vmem>>
    %dma_start3A_212 = arith.constant 0 : i32
    %dma_start3A_213 = arith.constant 0 : i32
    %dma_start3A_214 = tpu.memref_slice %arg30[%dma_start3A_212, %dma_start3A_213] : memref<1001x64xf32, #tpu.memory_space<vmem_shared>> -> memref<1001x64xf32, #tpu.memory_space<vmem_shared>>
    tpu.enqueue_indirect_dma source(%dma_start3A_214 : memref<1001x64xf32, #tpu.memory_space<vmem_shared>>) target(%arg26 : memref<256x64xf32, #tpu.memory_space<vmem>>) offsets(%dma_start3A_211 : memref<256xi32, #tpu.memory_space<vmem>>) semaphore(%arg33 : memref<!tpu.dma_semaphore, #tpu.memory_space<semaphore_mem>>)
    %dma_wait3A_215 = arith.constant 256 : i32
    %dma_wait3A_216 = tpu.memref_slice %arg24[%dma_wait3A_215] : memref<512xi32, #tpu.memory_space<vmem>> -> memref<256xi32, #tpu.memory_space<vmem>>
    %dma_wait3A_217 = arith.constant 0 : i32
    %dma_wait3A_218 = arith.constant 0 : i32
    %dma_wait3A_219 = tpu.memref_slice %arg30[%dma_wait3A_217, %dma_wait3A_218] : memref<1001x64xf32, #tpu.memory_space<vmem_shared>> -> memref<1001x64xf32, #tpu.memory_space<vmem_shared>>
    tpu.wait_indirect_dma semaphore(%arg33 : memref<!tpu.dma_semaphore, #tpu.memory_space<semaphore_mem>>) src(%dma_wait3A_219 : memref<1001x64xf32, #tpu.memory_space<vmem_shared>>) dst(%arg26 : memref<256x64xf32, #tpu.memory_space<vmem>>)
    %add3A_220 = arith.constant 256 : i32
    %add3A_221 = arith.addi %mul3A_2, %add3A_220 : i32
    %dma_start3A_222 = arith.constant 0 : i32
    %dma_start3A_223 = tpu.memref_slice %arg18[%add3A_221, %dma_start3A_222] : memref<16384x64xf32, #tpu.memory_space<hbm>> -> memref<256x64xf32, #tpu.memory_space<hbm>>
    %dma_start3A_224 = arith.constant 0 : i32
    %dma_start3A_225 = tpu.memref_slice %arg18[%add3A_221, %dma_start3A_224] : memref<16384x64xf32, #tpu.memory_space<hbm>> -> memref<256x64xf32, #tpu.memory_space<hbm>>
    tpu.enqueue_dma source(%arg26 : memref<256x64xf32, #tpu.memory_space<vmem>>) target(%dma_start3A_225 : memref<256x64xf32, #tpu.memory_space<hbm>>) target_semaphore(%arg34 : memref<!tpu.dma_semaphore, #tpu.memory_space<semaphore_mem>>)
    %dma_wait3A_226 = arith.constant 0 : i32
    %dma_wait3A_227 = tpu.memref_slice %arg18[%add3A_221, %dma_wait3A_226] : memref<16384x64xf32, #tpu.memory_space<hbm>> -> memref<256x64xf32, #tpu.memory_space<hbm>>
    %dma_wait3A_228 = arith.constant 0 : i32
    %dma_wait3A_229 = tpu.memref_slice %arg18[%add3A_221, %dma_wait3A_228] : memref<16384x64xf32, #tpu.memory_space<hbm>> -> memref<256x64xf32, #tpu.memory_space<hbm>>
    tpu.wait_dma2 semaphore(%arg34 : memref<!tpu.dma_semaphore, #tpu.memory_space<semaphore_mem>>) src(%arg26 : memref<256x64xf32, #tpu.memory_space<vmem>>) dst(%dma_wait3A_229 : memref<256x64xf32, #tpu.memory_space<hbm>>)
    %dma_wait3A_230 = arith.constant 0 : i32
    %dma_wait3A_231 = arith.constant 0 : i32
    %dma_wait3A_232 = tpu.memref_slice %arg2[%dma_wait3A_230, %dma_wait3A_231] : memref<100001x64xf32, #tpu.memory_space<hbm>> -> memref<100001x64xf32, #tpu.memory_space<hbm>>
    tpu.wait_indirect_dma semaphore(%arg35 : memref<!tpu.dma_semaphore, #tpu.memory_space<semaphore_mem>>) src(%dma_wait3A_232 : memref<100001x64xf32, #tpu.memory_space<hbm>>) dst(%arg25 : memref<512x64xf32, #tpu.memory_space<vmem>>)
    %dma_start3A_233 = arith.constant 0 : i32
    %dma_start3A_234 = tpu.memref_slice %arg13[%mul3A_2, %dma_start3A_233] : memref<16384x64xf32, #tpu.memory_space<hbm>> -> memref<512x64xf32, #tpu.memory_space<hbm>>
    %dma_start3A_235 = arith.constant 0 : i32
    %dma_start3A_236 = tpu.memref_slice %arg13[%mul3A_2, %dma_start3A_235] : memref<16384x64xf32, #tpu.memory_space<hbm>> -> memref<512x64xf32, #tpu.memory_space<hbm>>
    tpu.enqueue_dma source(%arg25 : memref<512x64xf32, #tpu.memory_space<vmem>>) target(%dma_start3A_236 : memref<512x64xf32, #tpu.memory_space<hbm>>) target_semaphore(%arg36 : memref<!tpu.dma_semaphore, #tpu.memory_space<semaphore_mem>>)
    %dma_wait3A_237 = arith.constant 0 : i32
    %dma_wait3A_238 = tpu.memref_slice %arg13[%mul3A_2, %dma_wait3A_237] : memref<16384x64xf32, #tpu.memory_space<hbm>> -> memref<512x64xf32, #tpu.memory_space<hbm>>
    %dma_wait3A_239 = arith.constant 0 : i32
    %dma_wait3A_240 = tpu.memref_slice %arg13[%mul3A_2, %dma_wait3A_239] : memref<16384x64xf32, #tpu.memory_space<hbm>> -> memref<512x64xf32, #tpu.memory_space<hbm>>
    tpu.wait_dma2 semaphore(%arg36 : memref<!tpu.dma_semaphore, #tpu.memory_space<semaphore_mem>>) src(%arg25 : memref<512x64xf32, #tpu.memory_space<vmem>>) dst(%dma_wait3A_240 : memref<512x64xf32, #tpu.memory_space<hbm>>)
    return
  }
}

module attributes {stable_mosaic.version = 14 : i64} {
  func.func @_dense_body(%arg0: i32, %arg1: memref<1024x128xf32, #tpu.memory_space<vmem>>, %arg2: memref<1024x128xf32, #tpu.memory_space<vmem>>, %arg3: memref<1024x128xf32, #tpu.memory_space<vmem>>, %arg4: memref<1024x128xf32, #tpu.memory_space<vmem>>, %arg5: memref<1024x128xf32, #tpu.memory_space<vmem>>, %arg6: memref<1024x128xf32, #tpu.memory_space<vmem>>, %arg7: memref<1024x128xf32, #tpu.memory_space<vmem>>, %arg8: memref<1024x128xf32, #tpu.memory_space<vmem>>, %arg9: memref<256x128xf32, #tpu.memory_space<vmem>>, %arg10: memref<1x128xf32, #tpu.memory_space<vmem>>, %arg11: memref<128x64xf32, #tpu.memory_space<vmem>>, %arg12: memref<1x64xf32, #tpu.memory_space<vmem>>, %arg13: memref<64x64xf32, #tpu.memory_space<vmem>>, %arg14: memref<1x64xf32, #tpu.memory_space<vmem>>, %arg15: memref<128x128xf32, #tpu.memory_space<vmem>>, %arg16: memref<1x128xf32, #tpu.memory_space<vmem>>, %arg17: memref<128x64xf32, #tpu.memory_space<vmem>>, %arg18: memref<1x64xf32, #tpu.memory_space<vmem>>, %arg19: memref<64x64xf32, #tpu.memory_space<vmem>>, %arg20: memref<1x64xf32, #tpu.memory_space<vmem>>, %arg21: memref<1x64xf32, #tpu.memory_space<vmem>>, %arg22: memref<1x64xf32, #tpu.memory_space<vmem>>, %arg23: memref<1x64xf32, #tpu.memory_space<vmem>>, %arg24: memref<1x64xf32, #tpu.memory_space<vmem>>, %arg25: memref<1024x2xf32, #tpu.memory_space<vmem>>) attributes {dimension_semantics = [#tpu.dimension_semantics<arbitrary>], iteration_bounds = array<i64: 8>, scalar_prefetch = 0 : i64, scratch_operands = 0 : i64, tpu.core_type = #tpu.core_type<tc>, window_params = [{transform_indices = @transform_0, window_bounds = array<i64: 1024, 128>}, {transform_indices = @transform_1, window_bounds = array<i64: 1024, 128>}, {transform_indices = @transform_2, window_bounds = array<i64: 1024, 128>}, {transform_indices = @transform_3, window_bounds = array<i64: 1024, 128>}, {transform_indices = @transform_4, window_bounds = array<i64: 1024, 128>}, {transform_indices = @transform_5, window_bounds = array<i64: 1024, 128>}, {transform_indices = @transform_6, window_bounds = array<i64: 1024, 128>}, {transform_indices = @transform_7, window_bounds = array<i64: 1024, 128>}, {pipeline_mode = #tpu.pipeline_mode<synchronous>, transform_indices = @transform_8, window_bounds = array<i64: 256, 128>}, {pipeline_mode = #tpu.pipeline_mode<synchronous>, transform_indices = @transform_9, window_bounds = array<i64: 1, 128>}, {pipeline_mode = #tpu.pipeline_mode<synchronous>, transform_indices = @transform_10, window_bounds = array<i64: 128, 64>}, {pipeline_mode = #tpu.pipeline_mode<synchronous>, transform_indices = @transform_11, window_bounds = array<i64: 1, 64>}, {pipeline_mode = #tpu.pipeline_mode<synchronous>, transform_indices = @transform_12, window_bounds = array<i64: 64, 64>}, {pipeline_mode = #tpu.pipeline_mode<synchronous>, transform_indices = @transform_13, window_bounds = array<i64: 1, 64>}, {pipeline_mode = #tpu.pipeline_mode<synchronous>, transform_indices = @transform_14, window_bounds = array<i64: 128, 128>}, {pipeline_mode = #tpu.pipeline_mode<synchronous>, transform_indices = @transform_15, window_bounds = array<i64: 1, 128>}, {pipeline_mode = #tpu.pipeline_mode<synchronous>, transform_indices = @transform_16, window_bounds = array<i64: 128, 64>}, {pipeline_mode = #tpu.pipeline_mode<synchronous>, transform_indices = @transform_17, window_bounds = array<i64: 1, 64>}, {pipeline_mode = #tpu.pipeline_mode<synchronous>, transform_indices = @transform_18, window_bounds = array<i64: 64, 64>}, {pipeline_mode = #tpu.pipeline_mode<synchronous>, transform_indices = @transform_19, window_bounds = array<i64: 1, 64>}, {pipeline_mode = #tpu.pipeline_mode<synchronous>, transform_indices = @transform_20, window_bounds = array<i64: 1, 64>}, {pipeline_mode = #tpu.pipeline_mode<synchronous>, transform_indices = @transform_21, window_bounds = array<i64: 1, 64>}, {pipeline_mode = #tpu.pipeline_mode<synchronous>, transform_indices = @transform_22, window_bounds = array<i64: 1, 64>}, {pipeline_mode = #tpu.pipeline_mode<synchronous>, transform_indices = @transform_23, window_bounds = array<i64: 1, 64>}, {transform_indices = @transform_24, window_bounds = array<i64: 1024, 2>}]} {
    %get3A = arith.constant 0 : index
    %get3A_0 = arith.constant 0 : index
    %get3A_1 = vector.load %arg1[%get3A, %get3A_0] : memref<1024x128xf32, #tpu.memory_space<vmem>>, vector<1024x128xf32>
    %slice3A = vector.extract_strided_slice %get3A_1 {offsets = [0, 0], sizes = [1024, 64], strides = [1, 1]} : vector<1024x128xf32> to vector<1024x64xf32>
    %get3A_2 = arith.constant 0 : index
    %get3A_3 = arith.constant 0 : index
    %get3A_4 = vector.load %arg2[%get3A_2, %get3A_3] : memref<1024x128xf32, #tpu.memory_space<vmem>>, vector<1024x128xf32>
    %slice3A_5 = vector.extract_strided_slice %get3A_4 {offsets = [0, 0], sizes = [1024, 64], strides = [1, 1]} : vector<1024x128xf32> to vector<1024x64xf32>
    %get3A_6 = arith.constant 0 : index
    %get3A_7 = arith.constant 0 : index
    %get3A_8 = vector.load %arg3[%get3A_6, %get3A_7] : memref<1024x128xf32, #tpu.memory_space<vmem>>, vector<1024x128xf32>
    %slice3A_9 = vector.extract_strided_slice %get3A_8 {offsets = [0, 0], sizes = [1024, 64], strides = [1, 1]} : vector<1024x128xf32> to vector<1024x64xf32>
    %get3A_10 = arith.constant 0 : index
    %get3A_11 = arith.constant 0 : index
    %get3A_12 = vector.load %arg4[%get3A_10, %get3A_11] : memref<1024x128xf32, #tpu.memory_space<vmem>>, vector<1024x128xf32>
    %slice3A_13 = vector.extract_strided_slice %get3A_12 {offsets = [0, 0], sizes = [1024, 64], strides = [1, 1]} : vector<1024x128xf32> to vector<1024x64xf32>
    %concatenate3A = tpu.concatenate %slice3A, %slice3A_5, %slice3A_9, %slice3A_13 in 1 : vector<1024x64xf32>, vector<1024x64xf32>, vector<1024x64xf32>, vector<1024x64xf32> -> vector<1024x256xf32>
    %get3A_14 = arith.constant 0 : index
    %get3A_15 = arith.constant 0 : index
    %get3A_16 = vector.load %arg1[%get3A_14, %get3A_15] : memref<1024x128xf32, #tpu.memory_space<vmem>>, vector<1024x128xf32>
    %slice3A_17 = vector.extract_strided_slice %get3A_16 {offsets = [0, 64], sizes = [1024, 64], strides = [1, 1]} : vector<1024x128xf32> to vector<1024x64xf32>
    %get3A_18 = arith.constant 0 : index
    %get3A_19 = arith.constant 0 : index
    %get3A_20 = vector.load %arg2[%get3A_18, %get3A_19] : memref<1024x128xf32, #tpu.memory_space<vmem>>, vector<1024x128xf32>
    %slice3A_21 = vector.extract_strided_slice %get3A_20 {offsets = [0, 64], sizes = [1024, 64], strides = [1, 1]} : vector<1024x128xf32> to vector<1024x64xf32>
    %get3A_22 = arith.constant 0 : index
    %get3A_23 = arith.constant 0 : index
    %get3A_24 = vector.load %arg3[%get3A_22, %get3A_23] : memref<1024x128xf32, #tpu.memory_space<vmem>>, vector<1024x128xf32>
    %slice3A_25 = vector.extract_strided_slice %get3A_24 {offsets = [0, 64], sizes = [1024, 64], strides = [1, 1]} : vector<1024x128xf32> to vector<1024x64xf32>
    %get3A_26 = arith.constant 0 : index
    %get3A_27 = arith.constant 0 : index
    %get3A_28 = vector.load %arg4[%get3A_26, %get3A_27] : memref<1024x128xf32, #tpu.memory_space<vmem>>, vector<1024x128xf32>
    %slice3A_29 = vector.extract_strided_slice %get3A_28 {offsets = [0, 64], sizes = [1024, 64], strides = [1, 1]} : vector<1024x128xf32> to vector<1024x64xf32>
    %concatenate3A_30 = tpu.concatenate %slice3A_17, %slice3A_21, %slice3A_25, %slice3A_29 in 1 : vector<1024x64xf32>, vector<1024x64xf32>, vector<1024x64xf32>, vector<1024x64xf32> -> vector<1024x256xf32>
    %concatenate3A_31 = tpu.concatenate %concatenate3A, %concatenate3A_30 in 0 : vector<1024x256xf32>, vector<1024x256xf32> -> vector<2048x256xf32>
    %get3A_32 = arith.constant 0 : index
    %get3A_33 = arith.constant 0 : index
    %get3A_34 = vector.load %arg9[%get3A_32, %get3A_33] : memref<256x128xf32, #tpu.memory_space<vmem>>, vector<256x128xf32>
    %dot_general3A = arith.constant dense<0.000000e+00> : vector<2048x128xf32>
    %dot_general3A_35 = tpu.matmul %concatenate3A_31, %get3A_34, %dot_general3A {dimension_numbers = #tpu.dot_dimension_numbers<[1], [0], [0], [1], [0, 0, 1, 1], [], []>, transpose_lhs_hint = false} : vector<2048x256xf32>, vector<256x128xf32>, vector<2048x128xf32> -> vector<2048x128xf32>
    %get3A_36 = arith.constant 0 : index
    %get3A_37 = arith.constant 0 : index
    %get3A_38 = vector.load %arg10[%get3A_36, %get3A_37] : memref<1x128xf32, #tpu.memory_space<vmem>>, vector<1x128xf32>
    %add3A = vector.broadcast %get3A_38 : vector<1x128xf32> to vector<2048x128xf32>
    %add3A_39 = arith.addf %dot_general3A_35, %add3A : vector<2048x128xf32>
    %max3A = arith.constant 0.000000e+00 : f32
    %max3A_40 = vector.broadcast %max3A : f32 to vector<2048x128xf32>
    %max3A_41 = arith.maximumf %add3A_39, %max3A_40 : vector<2048x128xf32>
    %get3A_42 = arith.constant 0 : index
    %get3A_43 = arith.constant 0 : index
    %get3A_44 = vector.load %arg11[%get3A_42, %get3A_43] : memref<128x64xf32, #tpu.memory_space<vmem>>, vector<128x64xf32>
    %dot_general3A_45 = arith.constant dense<0.000000e+00> : vector<2048x64xf32>
    %dot_general3A_46 = tpu.matmul %max3A_41, %get3A_44, %dot_general3A_45 {dimension_numbers = #tpu.dot_dimension_numbers<[1], [0], [0], [1], [0, 0, 1, 1], [], []>, transpose_lhs_hint = false} : vector<2048x128xf32>, vector<128x64xf32>, vector<2048x64xf32> -> vector<2048x64xf32>
    %get3A_47 = arith.constant 0 : index
    %get3A_48 = arith.constant 0 : index
    %get3A_49 = vector.load %arg12[%get3A_47, %get3A_48] : memref<1x64xf32, #tpu.memory_space<vmem>>, vector<1x64xf32>
    %add3A_50 = vector.broadcast %get3A_49 : vector<1x64xf32> to vector<2048x64xf32>
    %add3A_51 = arith.addf %dot_general3A_46, %add3A_50 : vector<2048x64xf32>
    %max3A_52 = arith.constant 0.000000e+00 : f32
    %max3A_53 = vector.broadcast %max3A_52 : f32 to vector<2048x64xf32>
    %max3A_54 = arith.maximumf %add3A_51, %max3A_53 : vector<2048x64xf32>
    %get3A_55 = arith.constant 0 : index
    %get3A_56 = arith.constant 0 : index
    %get3A_57 = vector.load %arg13[%get3A_55, %get3A_56] : memref<64x64xf32, #tpu.memory_space<vmem>>, vector<64x64xf32>
    %dot_general3A_58 = arith.constant dense<0.000000e+00> : vector<2048x64xf32>
    %dot_general3A_59 = tpu.matmul %max3A_54, %get3A_57, %dot_general3A_58 {dimension_numbers = #tpu.dot_dimension_numbers<[1], [0], [0], [1], [0, 0, 1, 1], [], []>, transpose_lhs_hint = false} : vector<2048x64xf32>, vector<64x64xf32>, vector<2048x64xf32> -> vector<2048x64xf32>
    %get3A_60 = arith.constant 0 : index
    %get3A_61 = arith.constant 0 : index
    %get3A_62 = vector.load %arg14[%get3A_60, %get3A_61] : memref<1x64xf32, #tpu.memory_space<vmem>>, vector<1x64xf32>
    %add3A_63 = vector.broadcast %get3A_62 : vector<1x64xf32> to vector<2048x64xf32>
    %add3A_64 = arith.addf %dot_general3A_59, %add3A_63 : vector<2048x64xf32>
    %get3A_65 = arith.constant 0 : index
    %get3A_66 = arith.constant 0 : index
    %get3A_67 = vector.load %arg21[%get3A_65, %get3A_66] : memref<1x64xf32, #tpu.memory_space<vmem>>, vector<1x64xf32>
    %get3A_68 = arith.constant 0 : index
    %get3A_69 = arith.constant 0 : index
    %get3A_70 = vector.load %arg22[%get3A_68, %get3A_69] : memref<1x64xf32, #tpu.memory_space<vmem>>, vector<1x64xf32>
    %reduce_sum3A = arith.constant dense<0.000000e+00> : vector<2048xf32>
    %reduce_sum3A_71 = vector.multi_reduction <add>, %add3A_64, %reduce_sum3A [1] : vector<2048x64xf32> to vector<2048xf32>
    %broadcast_in_dim3A = vector.shape_cast %reduce_sum3A_71 : vector<2048xf32> to vector<2048x1xf32>
    %div3A = arith.constant 6.400000e+01 : f32
    %div3A_72 = vector.broadcast %div3A : f32 to vector<2048x1xf32>
    %div3A_73 = arith.divf %broadcast_in_dim3A, %div3A_72 : vector<2048x1xf32>
    %sub3A = vector.broadcast %div3A_73 : vector<2048x1xf32> to vector<2048x64xf32>
    %sub3A_74 = arith.subf %add3A_64, %sub3A : vector<2048x64xf32>
    %integer_pow3A = arith.mulf %sub3A_74, %sub3A_74 : vector<2048x64xf32>
    %reduce_sum3A_75 = arith.constant dense<0.000000e+00> : vector<2048xf32>
    %reduce_sum3A_76 = vector.multi_reduction <add>, %integer_pow3A, %reduce_sum3A_75 [1] : vector<2048x64xf32> to vector<2048xf32>
    %broadcast_in_dim3A_77 = vector.shape_cast %reduce_sum3A_76 : vector<2048xf32> to vector<2048x1xf32>
    %div3A_78 = arith.constant 6.400000e+01 : f32
    %div3A_79 = vector.broadcast %div3A_78 : f32 to vector<2048x1xf32>
    %div3A_80 = arith.divf %broadcast_in_dim3A_77, %div3A_79 : vector<2048x1xf32>
    %sub3A_81 = vector.broadcast %div3A_73 : vector<2048x1xf32> to vector<2048x64xf32>
    %sub3A_82 = arith.subf %add3A_64, %sub3A_81 : vector<2048x64xf32>
    %add3A_83 = arith.constant 1.000000e-03 : f32
    %add3A_84 = vector.broadcast %add3A_83 : f32 to vector<2048x1xf32>
    %add3A_85 = arith.addf %div3A_80, %add3A_84 : vector<2048x1xf32>
    %sqrt3A = math.sqrt %add3A_85 : vector<2048x1xf32>
    %div3A_86 = vector.broadcast %sqrt3A : vector<2048x1xf32> to vector<2048x64xf32>
    %div3A_87 = arith.divf %sub3A_82, %div3A_86 : vector<2048x64xf32>
    %mul3A = vector.broadcast %get3A_67 : vector<1x64xf32> to vector<2048x64xf32>
    %mul3A_88 = arith.mulf %div3A_87, %mul3A : vector<2048x64xf32>
    %add3A_89 = vector.broadcast %get3A_70 : vector<1x64xf32> to vector<2048x64xf32>
    %add3A_90 = arith.addf %mul3A_88, %add3A_89 : vector<2048x64xf32>
    %get3A_91 = arith.constant 0 : index
    %get3A_92 = arith.constant 0 : index
    %get3A_93 = vector.load %arg5[%get3A_91, %get3A_92] : memref<1024x128xf32, #tpu.memory_space<vmem>>, vector<1024x128xf32>
    %slice3A_94 = vector.extract_strided_slice %get3A_93 {offsets = [0, 0], sizes = [1024, 64], strides = [1, 1]} : vector<1024x128xf32> to vector<1024x64xf32>
    %get3A_95 = arith.constant 0 : index
    %get3A_96 = arith.constant 0 : index
    %get3A_97 = vector.load %arg6[%get3A_95, %get3A_96] : memref<1024x128xf32, #tpu.memory_space<vmem>>, vector<1024x128xf32>
    %slice3A_98 = vector.extract_strided_slice %get3A_97 {offsets = [0, 0], sizes = [1024, 64], strides = [1, 1]} : vector<1024x128xf32> to vector<1024x64xf32>
    %concatenate3A_99 = tpu.concatenate %slice3A_94, %slice3A_98 in 1 : vector<1024x64xf32>, vector<1024x64xf32> -> vector<1024x128xf32>
    %get3A_100 = arith.constant 0 : index
    %get3A_101 = arith.constant 0 : index
    %get3A_102 = vector.load %arg5[%get3A_100, %get3A_101] : memref<1024x128xf32, #tpu.memory_space<vmem>>, vector<1024x128xf32>
    %slice3A_103 = vector.extract_strided_slice %get3A_102 {offsets = [0, 64], sizes = [1024, 64], strides = [1, 1]} : vector<1024x128xf32> to vector<1024x64xf32>
    %get3A_104 = arith.constant 0 : index
    %get3A_105 = arith.constant 0 : index
    %get3A_106 = vector.load %arg6[%get3A_104, %get3A_105] : memref<1024x128xf32, #tpu.memory_space<vmem>>, vector<1024x128xf32>
    %slice3A_107 = vector.extract_strided_slice %get3A_106 {offsets = [0, 64], sizes = [1024, 64], strides = [1, 1]} : vector<1024x128xf32> to vector<1024x64xf32>
    %concatenate3A_108 = tpu.concatenate %slice3A_103, %slice3A_107 in 1 : vector<1024x64xf32>, vector<1024x64xf32> -> vector<1024x128xf32>
    %get3A_109 = arith.constant 0 : index
    %get3A_110 = arith.constant 0 : index
    %get3A_111 = vector.load %arg7[%get3A_109, %get3A_110] : memref<1024x128xf32, #tpu.memory_space<vmem>>, vector<1024x128xf32>
    %slice3A_112 = vector.extract_strided_slice %get3A_111 {offsets = [0, 0], sizes = [1024, 64], strides = [1, 1]} : vector<1024x128xf32> to vector<1024x64xf32>
    %get3A_113 = arith.constant 0 : index
    %get3A_114 = arith.constant 0 : index
    %get3A_115 = vector.load %arg8[%get3A_113, %get3A_114] : memref<1024x128xf32, #tpu.memory_space<vmem>>, vector<1024x128xf32>
    %slice3A_116 = vector.extract_strided_slice %get3A_115 {offsets = [0, 0], sizes = [1024, 64], strides = [1, 1]} : vector<1024x128xf32> to vector<1024x64xf32>
    %concatenate3A_117 = tpu.concatenate %slice3A_112, %slice3A_116 in 1 : vector<1024x64xf32>, vector<1024x64xf32> -> vector<1024x128xf32>
    %get3A_118 = arith.constant 0 : index
    %get3A_119 = arith.constant 0 : index
    %get3A_120 = vector.load %arg7[%get3A_118, %get3A_119] : memref<1024x128xf32, #tpu.memory_space<vmem>>, vector<1024x128xf32>
    %slice3A_121 = vector.extract_strided_slice %get3A_120 {offsets = [0, 64], sizes = [1024, 64], strides = [1, 1]} : vector<1024x128xf32> to vector<1024x64xf32>
    %get3A_122 = arith.constant 0 : index
    %get3A_123 = arith.constant 0 : index
    %get3A_124 = vector.load %arg8[%get3A_122, %get3A_123] : memref<1024x128xf32, #tpu.memory_space<vmem>>, vector<1024x128xf32>
    %slice3A_125 = vector.extract_strided_slice %get3A_124 {offsets = [0, 64], sizes = [1024, 64], strides = [1, 1]} : vector<1024x128xf32> to vector<1024x64xf32>
    %concatenate3A_126 = tpu.concatenate %slice3A_121, %slice3A_125 in 1 : vector<1024x64xf32>, vector<1024x64xf32> -> vector<1024x128xf32>
    %concatenate3A_127 = tpu.concatenate %concatenate3A_99, %concatenate3A_108, %concatenate3A_117, %concatenate3A_126 in 0 : vector<1024x128xf32>, vector<1024x128xf32>, vector<1024x128xf32>, vector<1024x128xf32> -> vector<4096x128xf32>
    %get3A_128 = arith.constant 0 : index
    %get3A_129 = arith.constant 0 : index
    %get3A_130 = vector.load %arg15[%get3A_128, %get3A_129] : memref<128x128xf32, #tpu.memory_space<vmem>>, vector<128x128xf32>
    %dot_general3A_131 = arith.constant dense<0.000000e+00> : vector<4096x128xf32>
    %dot_general3A_132 = tpu.matmul %concatenate3A_127, %get3A_130, %dot_general3A_131 {dimension_numbers = #tpu.dot_dimension_numbers<[1], [0], [0], [1], [0, 0, 1, 1], [], []>, transpose_lhs_hint = false} : vector<4096x128xf32>, vector<128x128xf32>, vector<4096x128xf32> -> vector<4096x128xf32>
    %get3A_133 = arith.constant 0 : index
    %get3A_134 = arith.constant 0 : index
    %get3A_135 = vector.load %arg16[%get3A_133, %get3A_134] : memref<1x128xf32, #tpu.memory_space<vmem>>, vector<1x128xf32>
    %add3A_136 = vector.broadcast %get3A_135 : vector<1x128xf32> to vector<4096x128xf32>
    %add3A_137 = arith.addf %dot_general3A_132, %add3A_136 : vector<4096x128xf32>
    %max3A_138 = arith.constant 0.000000e+00 : f32
    %max3A_139 = vector.broadcast %max3A_138 : f32 to vector<4096x128xf32>
    %max3A_140 = arith.maximumf %add3A_137, %max3A_139 : vector<4096x128xf32>
    %get3A_141 = arith.constant 0 : index
    %get3A_142 = arith.constant 0 : index
    %get3A_143 = vector.load %arg17[%get3A_141, %get3A_142] : memref<128x64xf32, #tpu.memory_space<vmem>>, vector<128x64xf32>
    %dot_general3A_144 = arith.constant dense<0.000000e+00> : vector<4096x64xf32>
    %dot_general3A_145 = tpu.matmul %max3A_140, %get3A_143, %dot_general3A_144 {dimension_numbers = #tpu.dot_dimension_numbers<[1], [0], [0], [1], [0, 0, 1, 1], [], []>, transpose_lhs_hint = false} : vector<4096x128xf32>, vector<128x64xf32>, vector<4096x64xf32> -> vector<4096x64xf32>
    %get3A_146 = arith.constant 0 : index
    %get3A_147 = arith.constant 0 : index
    %get3A_148 = vector.load %arg18[%get3A_146, %get3A_147] : memref<1x64xf32, #tpu.memory_space<vmem>>, vector<1x64xf32>
    %add3A_149 = vector.broadcast %get3A_148 : vector<1x64xf32> to vector<4096x64xf32>
    %add3A_150 = arith.addf %dot_general3A_145, %add3A_149 : vector<4096x64xf32>
    %max3A_151 = arith.constant 0.000000e+00 : f32
    %max3A_152 = vector.broadcast %max3A_151 : f32 to vector<4096x64xf32>
    %max3A_153 = arith.maximumf %add3A_150, %max3A_152 : vector<4096x64xf32>
    %get3A_154 = arith.constant 0 : index
    %get3A_155 = arith.constant 0 : index
    %get3A_156 = vector.load %arg19[%get3A_154, %get3A_155] : memref<64x64xf32, #tpu.memory_space<vmem>>, vector<64x64xf32>
    %dot_general3A_157 = arith.constant dense<0.000000e+00> : vector<4096x64xf32>
    %dot_general3A_158 = tpu.matmul %max3A_153, %get3A_156, %dot_general3A_157 {dimension_numbers = #tpu.dot_dimension_numbers<[1], [0], [0], [1], [0, 0, 1, 1], [], []>, transpose_lhs_hint = false} : vector<4096x64xf32>, vector<64x64xf32>, vector<4096x64xf32> -> vector<4096x64xf32>
    %get3A_159 = arith.constant 0 : index
    %get3A_160 = arith.constant 0 : index
    %get3A_161 = vector.load %arg20[%get3A_159, %get3A_160] : memref<1x64xf32, #tpu.memory_space<vmem>>, vector<1x64xf32>
    %add3A_162 = vector.broadcast %get3A_161 : vector<1x64xf32> to vector<4096x64xf32>
    %add3A_163 = arith.addf %dot_general3A_158, %add3A_162 : vector<4096x64xf32>
    %get3A_164 = arith.constant 0 : index
    %get3A_165 = arith.constant 0 : index
    %get3A_166 = vector.load %arg23[%get3A_164, %get3A_165] : memref<1x64xf32, #tpu.memory_space<vmem>>, vector<1x64xf32>
    %get3A_167 = arith.constant 0 : index
    %get3A_168 = arith.constant 0 : index
    %get3A_169 = vector.load %arg24[%get3A_167, %get3A_168] : memref<1x64xf32, #tpu.memory_space<vmem>>, vector<1x64xf32>
    %reduce_sum3A_170 = arith.constant dense<0.000000e+00> : vector<4096xf32>
    %reduce_sum3A_171 = vector.multi_reduction <add>, %add3A_163, %reduce_sum3A_170 [1] : vector<4096x64xf32> to vector<4096xf32>
    %broadcast_in_dim3A_172 = vector.shape_cast %reduce_sum3A_171 : vector<4096xf32> to vector<4096x1xf32>
    %div3A_173 = arith.constant 6.400000e+01 : f32
    %div3A_174 = vector.broadcast %div3A_173 : f32 to vector<4096x1xf32>
    %div3A_175 = arith.divf %broadcast_in_dim3A_172, %div3A_174 : vector<4096x1xf32>
    %sub3A_176 = vector.broadcast %div3A_175 : vector<4096x1xf32> to vector<4096x64xf32>
    %sub3A_177 = arith.subf %add3A_163, %sub3A_176 : vector<4096x64xf32>
    %integer_pow3A_178 = arith.mulf %sub3A_177, %sub3A_177 : vector<4096x64xf32>
    %reduce_sum3A_179 = arith.constant dense<0.000000e+00> : vector<4096xf32>
    %reduce_sum3A_180 = vector.multi_reduction <add>, %integer_pow3A_178, %reduce_sum3A_179 [1] : vector<4096x64xf32> to vector<4096xf32>
    %broadcast_in_dim3A_181 = vector.shape_cast %reduce_sum3A_180 : vector<4096xf32> to vector<4096x1xf32>
    %div3A_182 = arith.constant 6.400000e+01 : f32
    %div3A_183 = vector.broadcast %div3A_182 : f32 to vector<4096x1xf32>
    %div3A_184 = arith.divf %broadcast_in_dim3A_181, %div3A_183 : vector<4096x1xf32>
    %sub3A_185 = vector.broadcast %div3A_175 : vector<4096x1xf32> to vector<4096x64xf32>
    %sub3A_186 = arith.subf %add3A_163, %sub3A_185 : vector<4096x64xf32>
    %add3A_187 = arith.constant 1.000000e-03 : f32
    %add3A_188 = vector.broadcast %add3A_187 : f32 to vector<4096x1xf32>
    %add3A_189 = arith.addf %div3A_184, %add3A_188 : vector<4096x1xf32>
    %sqrt3A_190 = math.sqrt %add3A_189 : vector<4096x1xf32>
    %div3A_191 = vector.broadcast %sqrt3A_190 : vector<4096x1xf32> to vector<4096x64xf32>
    %div3A_192 = arith.divf %sub3A_186, %div3A_191 : vector<4096x64xf32>
    %mul3A_193 = vector.broadcast %get3A_166 : vector<1x64xf32> to vector<4096x64xf32>
    %mul3A_194 = arith.mulf %div3A_192, %mul3A_193 : vector<4096x64xf32>
    %add3A_195 = vector.broadcast %get3A_169 : vector<1x64xf32> to vector<4096x64xf32>
    %add3A_196 = arith.addf %mul3A_194, %add3A_195 : vector<4096x64xf32>
    %slice3A_197 = vector.extract_strided_slice %add3A_196 {offsets = [0, 0], sizes = [2048, 64], strides = [1, 1]} : vector<4096x64xf32> to vector<2048x64xf32>
    %slice3A_198 = vector.extract_strided_slice %add3A_196 {offsets = [2048, 0], sizes = [2048, 64], strides = [1, 1]} : vector<4096x64xf32> to vector<2048x64xf32>
    %sub3A_199 = arith.subf %slice3A_197, %slice3A_198 : vector<2048x64xf32>
    %mul3A_200 = arith.mulf %add3A_90, %sub3A_199 : vector<2048x64xf32>
    %reduce_sum3A_201 = arith.constant dense<0.000000e+00> : vector<2048xf32>
    %reduce_sum3A_202 = vector.multi_reduction <add>, %mul3A_200, %reduce_sum3A_201 [1] : vector<2048x64xf32> to vector<2048xf32>
    %broadcast_in_dim3A_203 = vector.shape_cast %reduce_sum3A_202 : vector<2048xf32> to vector<2048x1xf32>
    %slice3A_204 = vector.extract_strided_slice %broadcast_in_dim3A_203 {offsets = [0, 0], sizes = [1024, 1], strides = [1, 1]} : vector<2048x1xf32> to vector<1024x1xf32>
    %slice3A_205 = vector.extract_strided_slice %broadcast_in_dim3A_203 {offsets = [1024, 0], sizes = [1024, 1], strides = [1, 1]} : vector<2048x1xf32> to vector<1024x1xf32>
    %concatenate3A_206 = tpu.concatenate %slice3A_204, %slice3A_205 in 1 : vector<1024x1xf32>, vector<1024x1xf32> -> vector<1024x2xf32>
    %swap3A = arith.constant 0 : index
    %swap3A_207 = arith.constant 0 : index
    %swap3A_208 = vector.load %arg25[%swap3A, %swap3A_207] : memref<1024x2xf32, #tpu.memory_space<vmem>>, vector<1024x2xf32>
    tpu.vector_store %arg25[%swap3A, %swap3A_207], %concatenate3A_206 {strides = array<i32>} : memref<1024x2xf32, #tpu.memory_space<vmem>>, vector<1024x2xf32>,
    return
  }
  func.func @transform_0(%arg0: i32) -> (i32, i32) {
    %c0_i32 = arith.constant 0 : i32
    %c0_i32_0 = arith.constant 0 : i32
    return %arg0, %c0_i32 : i32, i32
  }
  func.func @transform_1(%arg0: i32) -> (i32, i32) {
    %c0_i32 = arith.constant 0 : i32
    %c0_i32_0 = arith.constant 0 : i32
    return %arg0, %c0_i32 : i32, i32
  }
  func.func @transform_2(%arg0: i32) -> (i32, i32) {
    %c0_i32 = arith.constant 0 : i32
    %c0_i32_0 = arith.constant 0 : i32
    return %arg0, %c0_i32 : i32, i32
  }
  func.func @transform_3(%arg0: i32) -> (i32, i32) {
    %c0_i32 = arith.constant 0 : i32
    %c0_i32_0 = arith.constant 0 : i32
    return %arg0, %c0_i32 : i32, i32
  }
  func.func @transform_4(%arg0: i32) -> (i32, i32) {
    %c0_i32 = arith.constant 0 : i32
    %c0_i32_0 = arith.constant 0 : i32
    return %arg0, %c0_i32 : i32, i32
  }
  func.func @transform_5(%arg0: i32) -> (i32, i32) {
    %c0_i32 = arith.constant 0 : i32
    %c0_i32_0 = arith.constant 0 : i32
    return %arg0, %c0_i32 : i32, i32
  }
  func.func @transform_6(%arg0: i32) -> (i32, i32) {
    %c0_i32 = arith.constant 0 : i32
    %c0_i32_0 = arith.constant 0 : i32
    return %arg0, %c0_i32 : i32, i32
  }
  func.func @transform_7(%arg0: i32) -> (i32, i32) {
    %c0_i32 = arith.constant 0 : i32
    %c0_i32_0 = arith.constant 0 : i32
    return %arg0, %c0_i32 : i32, i32
  }
  func.func @transform_8(%arg0: i32) -> (i32, i32) {
    %c0_i32 = arith.constant 0 : i32
    %c0_i32_0 = arith.constant 0 : i32
    %c0_i32_1 = arith.constant 0 : i32
    return %c0_i32, %c0_i32_0 : i32, i32
  }
  func.func @transform_9(%arg0: i32) -> (i32, i32) {
    %c0_i32 = arith.constant 0 : i32
    %c0_i32_0 = arith.constant 0 : i32
    %c0_i32_1 = arith.constant 0 : i32
    return %c0_i32, %c0_i32_0 : i32, i32
  }
  func.func @transform_10(%arg0: i32) -> (i32, i32) {
    %c0_i32 = arith.constant 0 : i32
    %c0_i32_0 = arith.constant 0 : i32
    %c0_i32_1 = arith.constant 0 : i32
    return %c0_i32, %c0_i32_0 : i32, i32
  }
  func.func @transform_11(%arg0: i32) -> (i32, i32) {
    %c0_i32 = arith.constant 0 : i32
    %c0_i32_0 = arith.constant 0 : i32
    %c0_i32_1 = arith.constant 0 : i32
    return %c0_i32, %c0_i32_0 : i32, i32
  }
  func.func @transform_12(%arg0: i32) -> (i32, i32) {
    %c0_i32 = arith.constant 0 : i32
    %c0_i32_0 = arith.constant 0 : i32
    %c0_i32_1 = arith.constant 0 : i32
    return %c0_i32, %c0_i32_0 : i32, i32
  }
  func.func @transform_13(%arg0: i32) -> (i32, i32) {
    %c0_i32 = arith.constant 0 : i32
    %c0_i32_0 = arith.constant 0 : i32
    %c0_i32_1 = arith.constant 0 : i32
    return %c0_i32, %c0_i32_0 : i32, i32
  }
  func.func @transform_14(%arg0: i32) -> (i32, i32) {
    %c0_i32 = arith.constant 0 : i32
    %c0_i32_0 = arith.constant 0 : i32
    %c0_i32_1 = arith.constant 0 : i32
    return %c0_i32, %c0_i32_0 : i32, i32
  }
  func.func @transform_15(%arg0: i32) -> (i32, i32) {
    %c0_i32 = arith.constant 0 : i32
    %c0_i32_0 = arith.constant 0 : i32
    %c0_i32_1 = arith.constant 0 : i32
    return %c0_i32, %c0_i32_0 : i32, i32
  }
  func.func @transform_16(%arg0: i32) -> (i32, i32) {
    %c0_i32 = arith.constant 0 : i32
    %c0_i32_0 = arith.constant 0 : i32
    %c0_i32_1 = arith.constant 0 : i32
    return %c0_i32, %c0_i32_0 : i32, i32
  }
  func.func @transform_17(%arg0: i32) -> (i32, i32) {
    %c0_i32 = arith.constant 0 : i32
    %c0_i32_0 = arith.constant 0 : i32
    %c0_i32_1 = arith.constant 0 : i32
    return %c0_i32, %c0_i32_0 : i32, i32
  }
  func.func @transform_18(%arg0: i32) -> (i32, i32) {
    %c0_i32 = arith.constant 0 : i32
    %c0_i32_0 = arith.constant 0 : i32
    %c0_i32_1 = arith.constant 0 : i32
    return %c0_i32, %c0_i32_0 : i32, i32
  }
  func.func @transform_19(%arg0: i32) -> (i32, i32) {
    %c0_i32 = arith.constant 0 : i32
    %c0_i32_0 = arith.constant 0 : i32
    %c0_i32_1 = arith.constant 0 : i32
    return %c0_i32, %c0_i32_0 : i32, i32
  }
  func.func @transform_20(%arg0: i32) -> (i32, i32) {
    %c0_i32 = arith.constant 0 : i32
    %c0_i32_0 = arith.constant 0 : i32
    %c0_i32_1 = arith.constant 0 : i32
    return %c0_i32, %c0_i32_0 : i32, i32
  }
  func.func @transform_21(%arg0: i32) -> (i32, i32) {
    %c0_i32 = arith.constant 0 : i32
    %c0_i32_0 = arith.constant 0 : i32
    %c0_i32_1 = arith.constant 0 : i32
    return %c0_i32, %c0_i32_0 : i32, i32
  }
  func.func @transform_22(%arg0: i32) -> (i32, i32) {
    %c0_i32 = arith.constant 0 : i32
    %c0_i32_0 = arith.constant 0 : i32
    %c0_i32_1 = arith.constant 0 : i32
    return %c0_i32, %c0_i32_0 : i32, i32
  }
  func.func @transform_23(%arg0: i32) -> (i32, i32) {
    %c0_i32 = arith.constant 0 : i32
    %c0_i32_0 = arith.constant 0 : i32
    %c0_i32_1 = arith.constant 0 : i32
    return %c0_i32, %c0_i32_0 : i32, i32
  }
  func.func @transform_24(%arg0: i32) -> (i32, i32) {
    %c0_i32 = arith.constant 0 : i32
    %c0_i32_0 = arith.constant 0 : i32
    return %arg0, %c0_i32 : i32, i32
  }
}

</mosaic_0001>

<sc_bundles>
// kernel: kernel.5.cloned.1.call-start
scs
__scs_entry_jumppad:
0x0: {  	(pc) =	sbr.rel $0x88, $3  }
0x1: {  	(tag) =	ssettag $0x0;
	lr =	simm.s32 $0x1  }
0x2: {  	[smem:$0x3F83] =	sst lr;
	_ =	strace $0xD0000000  }
0x3: {  	_ = 	snop  }
0x4: {  	_ = 	snop  }
0x5: {  	_ = 	snop  }
0x6: {  	_ = 	snop  }
0x7: {  	_ = 	snop  }
__scs_overlays_trampoline_lowered:
0x8: {  	[smem:$0x3F92] =	sst s0  }
0x9: {  	[smem:$0x3F93] =	sst s1  }
0xa: {  	[smem:$0x3F94] =	sst s2  }
0xb: {  	[smem:$0x3F95] =	sst s3  }
0xc: {  	[smem:$0x3F96] =	sst s4  }
0xd: {  	[smem:$0x3F97] =	sst s5  }
0xe: {  	[smem:$0x3F98] =	sst s6  }
0xf: {  	[smem:$0x3F99] =	sst s7  }
0x10: {  	[smem:$0x3F9A] =	sst s8  }
0x11: {  	[smem:$0x3F9B] =	sst s9;
	s0 =	simm.s32 @!p0 $0x0  }
0x12: {  	s1 =	sld [smem:$0x3F81];
	s0 =	simm.s32 @p0 $0x1  }
0x13: {  	[smem:$0x3F9C] =	sst s0;
	s0 =	simm.s32 @!p1 $0x0  }
0x14: {  	s2 =	sld [smem:$0x3F80];
	s0 =	simm.s32 @p1 $0x1  }
0x15: {  	[smem:$0x3F9D] =	sst s0;
	s0 =	simm.s32 @!p2 $0x0  }
0x16: {  	s3 =	sld [smem:$0x3FDB];
	s0 =	simm.s32 @p2 $0x1  }
0x17: {  	s4 =	simm.s32 $0x1BF5;
	[smem:$0x3F9F] =	sst s0  }
0x18: {  	s0 =	sld [smem:$0x3F82];
	_ =	swait.ge [sflag:s4], $0x0  }
0x19: {  	s7 =	sld [smem:$0x3F83]  }
0x1a: {  	s8 =	sadd.s32 $0xFFFFE003, lr  }
0x1b: {  	s9 =	sadd.s32 $0xFFFFFEF7, lr;
	s5 =	simm.s32 $0xFFFFFFFF;
	p2 =	slt.u32 s8, $0xFFFFF086  }
0x1c: {  	p1 =	slt.u32 s9, $0xF7A;
	s5 =	simm.s32 @!p2 $0x0  }
0x1d: {  	s5 =	simm.s32 @p1 $0x1;
	p0 =	seq.s32 s7, s2  }
0x1e: {  	s7 =	smul.u32 @!p0 $0xF7A, s2;
	p2 =	seq.s32 @!p0 s5, $0x0  }
0x1f: {  	s9 =	smul.u32 $0xF7A, s1;
	s8 =	simm.s32 @!p0 $0x1BF5;
	p2 =	por !p2, p0  }
0x20: {  	[sflag:s8] =	ssyncset.s32 @!p0 $0xFFFFF086;
	s6 =	sadd.s32 @!p0 s3, s7;
	s7 =	simm.s32 @!p0 $0x108  }
0x21: {  	s3 =	sadd.s32 s3, s9;
	s6 =	sadd.s32 @!p0 $0x88, s6;
	s7 =	simm.s32 @p2 $0x1082  }
0x22: {  	[simem:s7], [sflag:s8] =	dma.local @!p0 [hbm:s6], $0xF7A  }
0x23: {  	s9 =	sor.u32 $0xD0000000, s2;
	s6 =	simm.s32 $0x108;
	_ =	swait.ge @!p0 [sflag:s8], $0x0  }
0x24: {  	s3 =	sadd.s32 $0x88, s3;
	s6 =	simm.s32 @!p1 $0x1082;
	[sflag:s4] =	ssyncset.s32 $0xFFFFF086  }
0x25: {  	[simem:s6], [sflag:s4] =	dma.local [hbm:s3], $0xF7A  }
0x26: {  	[smem:$0x3F83] =	sst s1;
	(tag) =	ssettag s2;
	_ =	strace s9  }
0x27: {  	s1 =	sld [smem:$0x3F93]  }
0x28: {  	s2 =	sld [smem:$0x3F94]  }
0x29: {  	s4 =	sld [smem:$0x3F96]  }
0x2a: {  	p0 =	seq.s32 s5, $0x0;
	s5 =	sld [smem:$0x3F97]  }
0x2b: {  	s6 =	sld [smem:$0x3F98]  }
0x2c: {  	s7 =	sld [smem:$0x3F99]  }
0x2d: {  	s3 =	simm.s32 $0x108;
	s8 =	sld [smem:$0x3F9A]  }
0x2e: {  	s3 =	simm.s32 @!p0 $0x1082;
	s9 =	sld [smem:$0x3F9B]  }
0x2f: {  	lr =	sadd.s32 s0, s3;
	s0 =	sld [smem:$0x3F92]  }
0x30: {  	s3 =	sld [smem:$0x3F95]  }
0x31: {  	[smem:$0x3F9E] =	sst s10  }
0x32: {  	s10 =	sld [smem:$0x3F9C];
	_ =	sdelay $0x3  }
0x33: {  	p0 =	seq.s32 s10, $0x1;
	s10 =	sld [smem:$0x3F9E];
	_ =	sdelay $0x3  }
0x34: {  	[smem:$0x3F9E] =	sst s10  }
0x35: {  	s10 =	sld [smem:$0x3F9D];
	_ =	sdelay $0x3  }
0x36: {  	p1 =	seq.s32 s10, $0x1;
	s10 =	sld [smem:$0x3F9E];
	_ =	sdelay $0x3  }
0x37: {  	[smem:$0x3F9E] =	sst s10  }
0x38: {  	s10 =	sld [smem:$0x3F9F]  }
0x39: {  	_ = 	snop;
	(pc) =	sbr.ind lr, $3  }
0x3a: {  	_ = 	snop  }
0x3b: {  	_ = 	snop  }
0x3c: {  	p2 =	seq.s32 s10, $0x1;
	s10 =	sld [smem:$0x3F9E]  }
0x3d: {  	_ =	shalt  }
0x3e: {  	_ =	shalt  }
0x3f: {  	_ =	shalt  }
0x40: {  	_ =	shalt  }
0x41: {  	_ =	shalt  }
0x42: {  	_ =	shalt  }
0x43: {  	_ =	shalt  }
0x44: {  	_ =	shalt  }
0x45: {  	_ =	shalt  }
0x46: {  	_ =	shalt  }
0x47: {  	_ =	shalt  }
0x48: {  	_ =	shalt  }
0x49: {  	_ =	shalt  }
0x4a: {  	_ =	shalt  }
0x4b: {  	_ =	shalt  }
0x4c: {  	_ =	shalt  }
0x4d: {  	_ =	shalt  }
0x4e: {  	_ =	shalt  }
0x4f: {  	_ =	shalt  }
0x50: {  	_ =	shalt  }
0x51: {  	_ =	shalt  }
0x52: {  	_ =	shalt  }
0x53: {  	_ =	shalt  }
0x54: {  	_ =	shalt  }
0x55: {  	_ =	shalt  }
0x56: {  	_ =	shalt  }
0x57: {  	_ =	shalt  }
0x58: {  	_ =	shalt  }
0x59: {  	_ =	shalt  }
0x5a: {  	_ =	shalt  }
0x5b: {  	_ =	shalt  }
0x5c: {  	_ =	shalt  }
0x5d: {  	_ =	shalt  }
0x5e: {  	_ =	shalt  }
0x5f: {  	_ =	shalt  }
0x60: {  	_ =	shalt  }
0x61: {  	_ =	shalt  }
0x62: {  	_ =	shalt  }
0x63: {  	_ =	shalt  }
0x64: {  	_ =	shalt  }
0x65: {  	_ =	shalt  }
0x66: {  	_ =	shalt  }
0x67: {  	_ =	shalt  }
0x68: {  	_ =	shalt  }
0x69: {  	_ =	shalt  }
0x6a: {  	_ =	shalt  }
0x6b: {  	_ =	shalt  }
0x6c: {  	_ =	shalt  }
0x6d: {  	_ =	shalt  }
0x6e: {  	_ =	shalt  }
0x6f: {  	_ =	shalt  }
0x70: {  	_ =	shalt  }
0x71: {  	_ =	shalt  }
0x72: {  	_ =	shalt  }
0x73: {  	_ =	shalt  }
0x74: {  	_ =	shalt  }
0x75: {  	_ =	shalt  }
0x76: {  	_ =	shalt  }
0x77: {  	_ =	shalt  }
0x78: {  	_ =	shalt  }
0x79: {  	_ =	shalt  }
0x7a: {  	_ =	shalt  }
0x7b: {  	_ =	shalt  }
0x7c: {  	_ =	shalt  }
0x7d: {  	_ =	shalt  }
0x7e: {  	_ =	shalt  }
0x7f: {  	_ =	shalt  }
0x80: {  	_ =	shalt  }
0x81: {  	_ =	shalt  }
0x82: {  	_ =	shalt  }
0x83: {  	_ =	shalt  }
0x84: {  	_ =	shalt  }
0x85: {  	_ =	shalt  }
0x86: {  	_ =	shalt  }
0x87: {  	_ =	shalt  }
.Lfunc_end0:
.L_simem_size_0:
called_computation_lowered:
.L_overlay_start_0:
0x88: {  	s2 =	sld [smem:$0x3FD9]  }
0x89: {  	s3 =	sld [smem:$0x3FFE];
	_ =	sdelay $0x1  }
0x8a: {  	s1 =	srdreg.scid  }
0x8b: {  	s0 =	sand.u32 $0x1, s1  }
0x8c: {  	s17 =	sshll.u32 s0, $0xA;
	s2 =	sadd.s32 s3, s2  }
0x8d: {  	s2 =	sadd.s32 s2, s17  }
0x8e: {  	[smem:$0x3FAA] =	sst s2  }
0x8f: {  	_ = 	snop  }
0x90: {  	s2 =	sld [smem:$0x3FC9]  }
0x91: {  	s18 =	sld [smem:$0x3FC8]  }
0x92: {  	s4 =	sld [smem:$0x3FC7]  }
0x93: {  	s5 =	sld [smem:$0x3FC6]  }
0x94: {  	s6 =	sld [smem:$0x3FC4]  }
0x95: {  	s7 =	sld [smem:$0x3FC2]  }
0x96: {  	s8 =	sld [smem:$0x3FD0];
	(tm) =	ssettm $0x1  }
0x97: {  	s9 =	sld [smem:$0x3FFB];
	_ =	sdelay $0x3  }
0x98: {  	_ =	strace s9  }
0x99: {  	s9 =	sld [smem:$0x3FFC];
	_ =	sdelay $0x3  }
0x9a: {  	_ =	strace s9  }
0x9b: {  	s9 =	sld [smem:$0x3FFD];
	_ =	sdelay $0x3  }
0x9c: {  	_ =	strace s9  }
0x9d: {  	_ =	strace $0x8FFFFFFF  }
0x9e: {  	s19 =	sld [smem:$0x3FDB];
	_ =	sdelay $0x1  }
0x9f: {  	s10 =	simm.s32 $_scs_section_size  }
0xa0: {  	s11 =	simm.s32 $_size__tile_overlayer_lowered;
	s12 =	simm.s32 $_tile_overlayer_lowered  }
0xa1: {  	s22 =	simm.s32 $0x1BFF;
	s21 =	sshll.u32 s12, $0x1;
	s9 =	sadd.s32 s10, s19  }
0xa2: {  	s13 =	simm.s32 $0x0;
	s20 =	sshll.u32 s11, $0x1;
	s11 =	sadd.s32 s21, s9  }
0xa3: {  	[timem:s13], [sflag:s22] =	dma.local [hbm:s11], s20  }
0xa4: {  	_ =	swait.ge [sflag:s22], s20  }
0xa5: {  	s10 =	ssub.s32 $0x0, s20;
	[sflag:s22] =	ssyncset.done $0x0  }
0xa6: {  	[sflag:s22] =	ssyncadd.s32 s10;
	_ =	sdelay $0x1  }
0xa7: {  	s23 =	simm.s32 $0x1B8B  }
0xa8: {  	_ =	swait.ge [sflag:s23], $0x1  }
0xa9: {  	[sflag:s23] =	ssyncset.done $0x0  }
0xaa: {  	s25 =	simm.s32 $0x1B8E;
	s24 =	sld [smem:$0x3FFE];
	[sflag:s23] =	ssyncadd.s32 $0xFFFFFFFF  }
0xab: {  	s26 =	simm.s32 $execute0_lowered;
	[smem:$0x3FD2] =	sst s25  }
0xac: {  	s11 =	sshll.u32 s26, $0x1;
	_ =	strace $0x80000046;
	[dreg:$0x1] =	wrdreg $0xFFFFFFFF  }
0xad: {  	s28 =	simm.s32 $_size_execute0_lowered;
	s9 =	sadd.s32 s9, s11;
	[dreg:$0x0] =	wrdreg $0x0  }
0xae: {  	s11 =	sshll.u32 s28, $0x1;
	[dreg:$0x2] =	wrdreg s9  }
0xaf: {  	[dreg:$0x3] =	wrdreg s11  }
0xb0: {  	[dreg:$0x4] =	wrdreg $0xC0  }
0xb1: {  	_ =	task [dreg:s13], $0x5FFFF  }
0xb2: {  	[dreg:$0x1] =	wrdreg $0xFFFFFFFF  }
0xb3: {  	[dreg:$0x0] =	wrdreg $0x60  }
0xb4: {  	[dreg:$0x2] =	wrdreg s24  }
0xb5: {  	[dreg:$0x3] =	wrdreg s8  }
0xb6: {  	[dreg:$0x4] =	wrdreg s2  }
0xb7: {  	[dreg:$0x5] =	wrdreg s18  }
0xb8: {  	[dreg:$0x6] =	wrdreg s4  }
0xb9: {  	[dreg:$0x7] =	wrdreg s5  }
0xba: {  	[dreg:$0x8] =	wrdreg s6  }
0xbb: {  	[dreg:$0x9] =	wrdreg s7  }
0xbc: {  	[dreg:$0xa] =	wrdreg $0xCC000  }
0xbd: {  	[dreg:$0xb] =	wrdreg $0xCC100  }
0xbe: {  	[dreg:$0xc] =	wrdreg $0xCF380  }
0xbf: {  	[dreg:$0xd] =	wrdreg $0xDEE00  }
0xc0: {  	[dreg:$0xe] =	wrdreg $0x9  }
0xc1: {  	_ =	task.clear_ibuf [dreg:s13], $0xFFFFF;
	_ =	strace $0x90000046  }
0xc2: {  	s29 =	simm.s32 $0x9;
	_ =	strace $0x80000048  }
0xc3: {  	_ =	swait.ge [sflag:s29], $0x1  }
0xc4: {  	[sflag:s29] =	ssyncadd.s32 $0xFFFFFFFF  }
0xc5: {  	_ =	strace $0x90000048  }
0xc6: {  	_ =	sfence  }
0xc7: {  	s30 =	sld [smem:$0x0];
	_ =	sdelay $0x2  }
0xc8: {  	s31 =	sshll.u32 s1, $0xD;
	s1 =	sshrl.u32 s1, $0x2  }
0xc9: {  	s3 =	sand.u32 $0x4000, s31;
	s1 =	sadd.s32 s1, s30  }
0xca: {  	s0 =	sor.u32 s3, s0;
	s1 =	sshll.u32 s1, $0x11  }
0xcb: {  	s0 =	sor.u32 s1, s0  }
0xcc: {  	s0 =	sadd.s32 $0x8F2B, s0  }
0xcd: {  	[sflag:s0] =	ssyncadd.remote.s32 $0x1  }
0xce: {  	_ =	sfence.sel $0xFFFF  }
0xcf: {  	[dreg:$0x0] =	wrdreg $0xFFFFFFFF;
	(pc) =	sbr.abs _section_cstart, $3  }
0xd0: {  	[dreg:$0x1] =	wrdreg $0xFFFFFFFF  }
0xd1: {  	_ =	task.clear_ibuf [dreg:s13], $0x2FFFF;
	_ =	strace $0x9FFFFFFF  }
0xd2: {  	(tm) =	ssettm $0x7FFFFFFF  }
0xd3: {  	_ =	shalt  }
tec
execute0_lowered:
.L_overlay_start_1:
0x0: {  	(tag) =	ssettag $0x1  }
0x1: {  	s0 =	rddreg [dreg:$0x0]  }
0x2: {  	s1 =	rddreg [dreg:$0x1]  }
0x3: {  	s4 =	rddreg [dreg:$0x2]  }
0x4: {  	s6 =	rddreg [dreg:$0x3]  }
0x5: {  	s7 =	rddreg [dreg:$0x4]  }
0x6: {  	s9 =	rddreg [dreg:$0x5]  }
0x7: {  	s10 =	rddreg [dreg:$0x6]  }
0x8: {  	s11 =	rddreg [dreg:$0x7]  }
0x9: {  	s8 =	rddreg [dreg:$0x8]  }
0xa: {  	s5 =	rddreg [dreg:$0x9]  }
0xb: {  	s3 =	rddreg [dreg:$0xa]  }
0xc: {  	s2 =	rddreg [dreg:$0xb]  }
0xd: {  	s17 =	rddreg [dreg:$0xc];
	s13 =	srdreg.scid;
	s31 =	simm.s32 $0x300  }
0xe: {  	s30 =	simm.s32 $0x500;
	p1 =	por $0x0, $0x0;
	[dreg:$0x10] =	wrdreg s1  }
0xf: {  	s1 =	simm.s32 $0x0;
	s12 =	sadd.s32 $0x18C800, s0;
	s13 =	sand.u32 $0x1, s13  }
0x10: {  	s14 =	sadd.s32 $0x9C00, s0;
	s25 =	sadd.s32 $0x7C00, s0;
	[smem:$0x7FF] =	sst s1  }
0x11: {  	_ =	strace $0x80000047;
	[dreg:$0xd] =	wrdreg s12;
	s12 =	stileid.u32  }
0x12: {  	s16 =	sshll.u32 s13, $0x9;
	[dreg:$0xe] =	wrdreg s14;
	s15 =	sshll.u32 s12, $0xA  }
0x13: {  	s26 =	sadd.s32 $0x5C00, s0;
	[dreg:$0xf] =	wrdreg s25;
	s15 =	sor.u32 s16, s15  }
0x14: {  	s22 =	sadd.s32 $0x29E00, s0;
	[dreg:$0x11] =	wrdreg s26;
	s16 =	sshrl.u32 s15, $0x3  }
0x15: {  	s25 =	sadd.s32 $0x69E00, s0;
	p0 =	sne.s32 s12, $0x0;
	s4 =	sadd.s32 s4, s16  }
0x16: {  	s12 =	simm.s32 $0x5;
	s18 =	sadd.s32 s6, s16;
	[dreg:$0x12] =	wrdreg s4  }
0x17: {  	s29 =	sshrl.u32 @!p0 s8, $0x3;
	s19 =	sadd.s32 s9, s16;
	[dreg:$0x13] =	wrdreg s18  }
0x18: {  	s28 =	sshrl.u32 @!p0 s5, $0x3;
	s20 =	sadd.s32 s7, s16;
	[dreg:$0x14] =	wrdreg s19  }
0x19: {  	s6 =	sshll.u32 s15, $0x3;
	s21 =	sadd.s32 s10, s16;
	[dreg:$0x15] =	wrdreg s20  }
0x1a: {  	s23 =	sadd.s32 s11, s16;
	s11 =	sadd.s32 $0x49E00, s0;
	[dreg:$0x16] =	wrdreg s21  }
0x1b: {  	s10 =	simm.s32 $0x6;
	[dreg:$0x17] =	wrdreg s23;
	s24 =	sadd.s32 s22, s6  }
0x1c: {  	s9 =	sor.u32 $0x800, s6;
	s7 =	sadd.s32 s25, s6;
	s15 =	sadd.s32 s6, s0  }
0x1d: {  	s16 =	sadd.s32 s11, s6;
	s18 =	sadd.s32 $0x89E00, s0;
	s0 =	sadd.s32 $0xA9E00, s0  }
0x1e: {  	s21 =	ssub.s32 $0x2, s13;
	s13 =	simm.s32 $0x100;
	[dreg:$0x18] =	wrdreg s24  }
0x1f: {  	s26 =	sadd.s32 s22, s9;
	[dreg:$0x1a] =	wrdreg s7;
	s14 =	sadd.s32 s25, s9  }
0x20: {  	[dreg:$0x1c] =	wrdreg s16;
	s19 =	sadd.s32 s11, s9;
	s20 =	sadd.s32 s18, s6  }
0x21: {  	s22 =	sadd.s32 s18, s9;
	s4 =	sadd.s32 $0x9E00, s15;
	s15 =	rddreg [dreg:$0xe]  }
0x22: {  	s23 =	sshrl.u32 s21, $0x1;
	s24 =	sadd.s32 s0, s6;
	[dreg:$0x19] =	wrdreg s26  }
0x23: {  	s0 =	sadd.s32 s0, s9;
	[dreg:$0x1b] =	wrdreg s14;
	s25 =	ssub.s32 s21, s23  }
0x24: {  	s18 =	simm.s32 $0x600;
	[dreg:$0x1d] =	wrdreg s19;
	s26 =	smax.u32 s25, $0x1  }
0x25: {  	s16 =	simm.s32 $0x800;
	[smem:$0x7FD] =	sst s0;
	s0 =	sadd.s32 $0xFFFFFFFF, s26  }
0x26: {  	s6 =	simm.s32 $0xC00;
	[dreg:$0x1e] =	wrdreg s20;
	p2 =	sne.s32 s0, $0x0  }
.Ltmp0:
0x27: {  	s9 =	simm.s32 $0x8C00;
	[dreg:$0x1f] =	wrdreg s22;
	(pc) =	sbr.rel @!p2 .LBB2_5-.Ltmp0, $4  }
0x28: {  	s11 =	simm.s32 $0x3;
	s7 =	simm.s32 $0x4;
	[smem:$0x7FC] =	sst s24  }
0x29: {  	s22 =	simm.s32 $0x200;
	s20 =	simm.s32 $0x400;
	s14 =	simm.s32 $0xA00  }
0x2a: {  	s24 =	simm.s32 $0x1;
	s23 =	simm.s32 $0x700;
	s21 =	simm.s32 $0x900  }
0x2b: {  	s19 =	simm.s32 $0xB00;
	s25 =	sshrl.u32 @!p0 s2, $0x3;
	s26 =	sshrl.u32 @!p0 s3, $0x3  }
0x2c: {  	s30 =	simm.s32 @!p0 $0x1C02  }
0x2d: {  	[spmem:s29], [sflag:s30] =	dma.local @!p0 [hbm:s15], $0x20  }
0x2e: {  	s15 =	rddreg [dreg:$0x10]  }
0x2f: {  	[spmem:s28], [sflag:s30] =	dma.local @!p0 [hbm:s15], $0x648  }
0x30: {  	s15 =	rddreg [dreg:$0xf]  }
0x31: {  	[spmem:s26], [sflag:s30] =	dma.local @!p0 [hbm:s15], $0x1F48  }
0x32: {  	s31 =	simm.s32 @!p0 $0x2;
	s15 =	rddreg [dreg:$0x11]  }
0x33: {  	[spmem:s25], [sflag:s30] =	dma.local @!p0 [hbm:s15], $0x1F48  }
0x34: {  	_ =	swait.ge @!p0 [sflag:s31], $0x20  }
0x35: {  	[sflag:s31] =	ssyncset.done @!p0 $0x0  }
0x36: {  	[sflag:s31] =	ssyncadd.s32 @!p0 $0xFFFFFFE0  }
0x37: {  	_ =	swait.ge @!p0 [sflag:s31], $0x648  }
0x38: {  	[sflag:s31] =	ssyncset.done @!p0 $0x0  }
0x39: {  	[sflag:s31] =	ssyncadd.s32 @!p0 $0xFFFFF9B8  }
0x3a: {  	_ =	swait.ge @!p0 [sflag:s31], $0x1F48  }
0x3b: {  	[sflag:s31] =	ssyncset.done @!p0 $0x0  }
0x3c: {  	[sflag:s31] =	ssyncadd.s32 @!p0 $0xFFFFE0B8  }
0x3d: {  	_ =	swait.ge @!p0 [sflag:s31], $0x1F48  }
0x3e: {  	[sflag:s31] =	ssyncset.done @!p0 $0x0  }
0x3f: {  	s15 =	rddreg [dreg:$0x12];
	[sflag:s31] =	ssyncadd.s32 @!p0 $0xFFFFE0B8  }
0x40: {  	[tilespmem:s1], [sflag:$0x1] =	stream.linear.gather [hbm4b:s15+s1], $0x200, $0x38;
	[tilespmem:$0xEE88] =	vst v63  }
0x41: {  	s17 =	smov.u32 s0;
	s0 =	rddreg [dreg:$0x13]  }
0x42: {  	[tilespmem:s22], [sflag:$0x1] =	stream.linear.gather [hbm4b:s0+s1], $0x200, $0x38;
	[tilespmem:$0xEE88] =	vst v63  }
0x43: {  	s15 =	rddreg [dreg:$0x14]  }
0x44: {  	[tilespmem:s20], [sflag:$0x1] =	stream.linear.gather [hbm4b:s15+s1], $0x200, $0x38;
	[tilespmem:$0xEE88] =	vst v63  }
0x45: {  	s0 =	rddreg [dreg:$0x15]  }
0x46: {  	[tilespmem:s18], [sflag:$0x1] =	stream.linear.gather [hbm4b:s0+s1], $0x200, $0x38;
	[tilespmem:$0xEE88] =	vst v63  }
0x47: {  	s15 =	rddreg [dreg:$0x16]  }
0x48: {  	[tilespmem:s16], [sflag:$0x1] =	stream.linear.gather [hbm4b:s15+s1], $0x200, $0x38;
	[tilespmem:$0xEE88] =	vst v63  }
0x49: {  	s0 =	rddreg [dreg:$0x17]  }
0x4a: {  	[tilespmem:s14], [sflag:$0x1] =	stream.linear.gather [hbm4b:s0+s1], $0x200, $0x38;
	[tilespmem:$0xEE88] =	vst v63  }
0x4b: {  	_ =	swait.ge [sflag:s24], $0x200  }
0x4c: {  	[sflag:s24] =	ssyncset.done $0x0  }
0x4d: {  	[sflag:s24] =	ssyncadd.s32 $0xFFFFFE00  }
0x4e: {  	_ =	swait.ge [sflag:s24], $0x200  }
0x4f: {  	[sflag:s24] =	ssyncset.done $0x0  }
0x50: {  	[sflag:s24] =	ssyncadd.s32 $0xFFFFFE00  }
0x51: {  	_ =	swait.ge [sflag:s24], $0x200  }
0x52: {  	[sflag:s24] =	ssyncset.done $0x0  }
0x53: {  	[sflag:s24] =	ssyncadd.s32 $0xFFFFFE00  }
0x54: {  	_ =	swait.ge [sflag:s24], $0x200  }
0x55: {  	[sflag:s24] =	ssyncset.done $0x0  }
0x56: {  	[sflag:s24] =	ssyncadd.s32 $0xFFFFFE00  }
0x57: {  	_ =	swait.ge [sflag:s24], $0x200  }
0x58: {  	[sflag:s24] =	ssyncset.done $0x0  }
0x59: {  	[sflag:s24] =	ssyncadd.s32 $0xFFFFFE00  }
0x5a: {  	_ =	swait.ge [sflag:s24], $0x200  }
0x5b: {  	[sflag:s24] =	ssyncset.done $0x0  }
0x5c: {  	[sflag:s24] =	ssyncadd.s32 $0xFFFFFE00  }
0x5d: {  	[bflag:$0x0] =	sbarrier.arrive $0xFFFF  }
0x5e: {  	s15 =	rddreg [dreg:$0xd]  }
0x5f: {  	[tilespmem:s6], [sflag:$0x5] =	stream.indirect.gather [hbm4b:s15+s22], $0x40, s1, s22, $0xb8;
	[tilespmem:$0xEE88] =	vst v63  }
0x60: {  	_ = 	snop  }
0x61: {  	[tilespmem:s9], [sflag:$0x3] =	stream.indirect.gather [spmem:s8], $0x40, s22, s13, $0xb8;
	[tilespmem:$0xEE88] =	vst v63  }
0x62: {  	_ =	swait.ge [sflag:s11], $0x4000  }
0x63: {  	[sflag:s11] =	ssyncset.done $0x0  }
0x64: {  	s15 =	rddreg [dreg:$0x18];
	[sflag:s11] =	ssyncadd.s32 $0xFFFFC000  }
0x65: {  	[hbm4b:s15+s1] =	stream.linear.scatter [tilespmem:s9], [sflag:$0x4], $0x4000, $0x38;
	[tilespmem:$0xEE88] =	vst v63  }
0x66: {  	_ =	swait.ge [sflag:s7], $0x4000  }
0x67: {  	[sflag:s7] =	ssyncset.done $0x0  }
0x68: {  	s19 =	simm.s32 $0x300;
	[sflag:s7] =	ssyncadd.s32 $0xFFFFC000  }
0x69: {  	[tilespmem:s9], [sflag:$0x3] =	stream.indirect.gather [spmem:s8], $0x40, s19, s13, $0xb8;
	[tilespmem:$0xEE88] =	vst v63  }
0x6a: {  	_ =	swait.ge [sflag:s11], $0x4000  }
0x6b: {  	[sflag:s11] =	ssyncset.done $0x0  }
0x6c: {  	s19 =	rddreg [dreg:$0x19];
	[sflag:s11] =	ssyncadd.s32 $0xFFFFC000  }
0x6d: {  	[hbm4b:s19+s1] =	stream.linear.scatter [tilespmem:s9], [sflag:$0x4], $0x4000, $0x38;
	[tilespmem:$0xEE88] =	vst v63  }
0x6e: {  	_ =	swait.ge [sflag:s7], $0x4000  }
0x6f: {  	[sflag:s7] =	ssyncset.done $0x0  }
0x70: {  	[sflag:s7] =	ssyncadd.s32 $0xFFFFC000  }
0x71: {  	[tilespmem:s9], [sflag:$0x3] =	stream.indirect.gather [spmem:s5], $0x40, s20, s13, $0xb8;
	[tilespmem:$0xEE88] =	vst v63  }
0x72: {  	_ =	swait.ge [sflag:s11], $0x4000  }
0x73: {  	[sflag:s11] =	ssyncset.done $0x0  }
0x74: {  	s15 =	rddreg [dreg:$0x1a];
	[sflag:s11] =	ssyncadd.s32 $0xFFFFC000  }
0x75: {  	[hbm4b:s15+s1] =	stream.linear.scatter [tilespmem:s9], [sflag:$0x4], $0x4000, $0x38;
	[tilespmem:$0xEE88] =	vst v63  }
0x76: {  	_ =	swait.ge [sflag:s7], $0x4000  }
0x77: {  	[sflag:s7] =	ssyncset.done $0x0  }
0x78: {  	s21 =	simm.s32 $0x500;
	[sflag:s7] =	ssyncadd.s32 $0xFFFFC000  }
0x79: {  	[tilespmem:s9], [sflag:$0x3] =	stream.indirect.gather [spmem:s5], $0x40, s21, s13, $0xb8;
	[tilespmem:$0xEE88] =	vst v63  }
0x7a: {  	_ =	swait.ge [sflag:s11], $0x4000  }
0x7b: {  	[sflag:s11] =	ssyncset.done $0x0  }
0x7c: {  	s19 =	rddreg [dreg:$0x1b];
	[sflag:s11] =	ssyncadd.s32 $0xFFFFC000  }
0x7d: {  	[hbm4b:s19+s1] =	stream.linear.scatter [tilespmem:s9], [sflag:$0x4], $0x4000, $0x38;
	[tilespmem:$0xEE88] =	vst v63  }
0x7e: {  	_ =	swait.ge [sflag:s7], $0x4000  }
0x7f: {  	[sflag:s7] =	ssyncset.done $0x0  }
0x80: {  	[sflag:s7] =	ssyncadd.s32 $0xFFFFC000  }
0x81: {  	[tilespmem:s9], [sflag:$0x3] =	stream.indirect.gather [spmem:s3], $0x40, s18, s13, $0xb8;
	[tilespmem:$0xEE88] =	vst v63  }
0x82: {  	_ =	swait.ge [sflag:s11], $0x4000  }
0x83: {  	[sflag:s11] =	ssyncset.done $0x0  }
0x84: {  	s21 =	rddreg [dreg:$0x1c];
	[sflag:s11] =	ssyncadd.s32 $0xFFFFC000  }
0x85: {  	[hbm4b:s21+s1] =	stream.linear.scatter [tilespmem:s9], [sflag:$0x4], $0x4000, $0x38;
	[tilespmem:$0xEE88] =	vst v63  }
0x86: {  	_ =	swait.ge [sflag:s7], $0x4000  }
0x87: {  	[sflag:s7] =	ssyncset.done $0x0  }
0x88: {  	s23 =	simm.s32 $0x700;
	[sflag:s7] =	ssyncadd.s32 $0xFFFFC000  }
0x89: {  	[tilespmem:s9], [sflag:$0x3] =	stream.indirect.gather [spmem:s3], $0x40, s23, s13, $0xb8;
	[tilespmem:$0xEE88] =	vst v63  }
0x8a: {  	_ =	swait.ge [sflag:s11], $0x4000  }
0x8b: {  	[sflag:s11] =	ssyncset.done $0x0  }
0x8c: {  	s15 =	rddreg [dreg:$0x1d];
	[sflag:s11] =	ssyncadd.s32 $0xFFFFC000  }
0x8d: {  	[hbm4b:s15+s1] =	stream.linear.scatter [tilespmem:s9], [sflag:$0x4], $0x4000, $0x38;
	[tilespmem:$0xEE88] =	vst v63  }
0x8e: {  	_ =	swait.ge [sflag:s7], $0x4000  }
0x8f: {  	[sflag:s7] =	ssyncset.done $0x0  }
0x90: {  	[sflag:s7] =	ssyncadd.s32 $0xFFFFC000  }
0x91: {  	[tilespmem:s9], [sflag:$0x3] =	stream.indirect.gather [spmem:s2], $0x40, s16, s13, $0xb8;
	[tilespmem:$0xEE88] =	vst v63  }
0x92: {  	_ =	swait.ge [sflag:s11], $0x4000  }
0x93: {  	[sflag:s11] =	ssyncset.done $0x0  }
0x94: {  	s19 =	rddreg [dreg:$0x1e];
	[sflag:s11] =	ssyncadd.s32 $0xFFFFC000  }
0x95: {  	[hbm4b:s19+s1] =	stream.linear.scatter [tilespmem:s9], [sflag:$0x4], $0x4000, $0x38;
	[tilespmem:$0xEE88] =	vst v63  }
0x96: {  	_ =	swait.ge [sflag:s7], $0x4000  }
0x97: {  	[sflag:s7] =	ssyncset.done $0x0  }
0x98: {  	s23 =	simm.s32 $0x900;
	[sflag:s7] =	ssyncadd.s32 $0xFFFFC000  }
0x99: {  	[tilespmem:s9], [sflag:$0x3] =	stream.indirect.gather [spmem:s2], $0x40, s23, s13, $0xb8;
	[tilespmem:$0xEE88] =	vst v63  }
0x9a: {  	_ =	swait.ge [sflag:s11], $0x4000  }
0x9b: {  	[sflag:s11] =	ssyncset.done $0x0  }
0x9c: {  	s15 =	rddreg [dreg:$0x1f];
	[sflag:s11] =	ssyncadd.s32 $0xFFFFC000  }
0x9d: {  	[hbm4b:s15+s1] =	stream.linear.scatter [tilespmem:s9], [sflag:$0x4], $0x4000, $0x38;
	[tilespmem:$0xEE88] =	vst v63  }
0x9e: {  	_ =	swait.ge [sflag:s7], $0x4000  }
0x9f: {  	[sflag:s7] =	ssyncset.done $0x0  }
0xa0: {  	[sflag:s7] =	ssyncadd.s32 $0xFFFFC000  }
0xa1: {  	[tilespmem:s9], [sflag:$0x3] =	stream.indirect.gather [spmem:s2], $0x40, s14, s13, $0xb8;
	[tilespmem:$0xEE88] =	vst v63  }
0xa2: {  	_ =	swait.ge [sflag:s11], $0x4000  }
0xa3: {  	s23 =	sld [smem:$0x7FC]  }
0xa4: {  	[sflag:s11] =	ssyncset.done $0x0  }
0xa5: {  	[sflag:s11] =	ssyncadd.s32 $0xFFFFC000  }
0xa6: {  	[hbm4b:s23+s1] =	stream.linear.scatter [tilespmem:s9], [sflag:$0x4], $0x4000, $0x38;
	[tilespmem:$0xEE88] =	vst v63  }
0xa7: {  	_ =	swait.ge [sflag:s7], $0x4000  }
0xa8: {  	[sflag:s7] =	ssyncset.done $0x0  }
0xa9: {  	s15 =	simm.s32 $0xB00;
	[sflag:s7] =	ssyncadd.s32 $0xFFFFC000  }
0xaa: {  	[tilespmem:s9], [sflag:$0x3] =	stream.indirect.gather [spmem:s2], $0x40, s15, s13, $0xb8;
	[tilespmem:$0xEE88] =	vst v63  }
0xab: {  	_ =	swait.ge [sflag:s11], $0x4000  }
0xac: {  	s15 =	sld [smem:$0x7FD]  }
0xad: {  	[sflag:s11] =	ssyncset.done $0x0  }
0xae: {  	[sflag:s11] =	ssyncadd.s32 $0xFFFFC000  }
0xaf: {  	[hbm4b:s15+s1] =	stream.linear.scatter [tilespmem:s9], [sflag:$0x4], $0x4000, $0x38;
	[tilespmem:$0xEE88] =	vst v63  }
0xb0: {  	_ =	swait.ge [sflag:s7], $0x4000  }
0xb1: {  	[sflag:s7] =	ssyncset.done $0x0  }
0xb2: {  	s0 =	sadd.s32 $0xFFFFFFFF, s17;
	[sflag:s7] =	ssyncadd.s32 $0xFFFFC000  }
0xb3: {  	p2 =	sne.s32 s0, $0x0;
	_ =	swait.ge [sflag:s12], $0x8000  }
.Ltmp1:
0xb4: {  	[sflag:s12] =	ssyncset.done $0x0;
	(pc) =	sbr.rel @!p2 .LBB2_2-.Ltmp1, $4  }
0xb5: {  	p1 =	por $0x1, $0x1;
	[sflag:s12] =	ssyncadd.s32 $0xFFFF8000  }
0xb6: {  	[hbm4b:s4+s1] =	stream.linear.scatter [tilespmem:s6], [sflag:$0x6], $0x8000, $0x38;
	[tilespmem:$0xEE88] =	vst v63  }
0xb7: {  	s21 =	simm.s32 $0x700;
	s19 =	simm.s32 $0x900;
	_ =	swait.ge [sflag:s10], $0x8000  }
0xb8: {  	s23 =	simm.s32 $0xB00;
	s15 =	rddreg [dreg:$0xe];
	[sflag:s10] =	ssyncset.done $0x0  }
.LBB2_3:
0xb9: {  	[sflag:s10] =	ssyncadd.s32 $0xFFFF8000  }
0xba: {  	[spmem:s29], [sflag:s30] =	dma.local @!p0 [hbm:s15], $0x20  }
0xbb: {  	s15 =	rddreg [dreg:$0x10]  }
0xbc: {  	[spmem:s28], [sflag:s30] =	dma.local @!p0 [hbm:s15], $0x648  }
0xbd: {  	s15 =	rddreg [dreg:$0xf]  }
0xbe: {  	[spmem:s26], [sflag:s30] =	dma.local @!p0 [hbm:s15], $0x1F48  }
0xbf: {  	s15 =	rddreg [dreg:$0x11]  }
0xc0: {  	[spmem:s25], [sflag:s30] =	dma.local @!p0 [hbm:s15], $0x1F48  }
0xc1: {  	_ =	swait.ge @!p0 [sflag:s31], $0x20  }
0xc2: {  	[sflag:s31] =	ssyncset.done @!p0 $0x0  }
0xc3: {  	[sflag:s31] =	ssyncadd.s32 @!p0 $0xFFFFFFE0  }
0xc4: {  	_ =	swait.ge @!p0 [sflag:s31], $0x648  }
0xc5: {  	[sflag:s31] =	ssyncset.done @!p0 $0x0  }
0xc6: {  	[sflag:s31] =	ssyncadd.s32 @!p0 $0xFFFFF9B8  }
0xc7: {  	_ =	swait.ge @!p0 [sflag:s31], $0x1F48  }
0xc8: {  	[sflag:s31] =	ssyncset.done @!p0 $0x0  }
0xc9: {  	[sflag:s31] =	ssyncadd.s32 @!p0 $0xFFFFE0B8  }
0xca: {  	_ =	swait.ge @!p0 [sflag:s31], $0x1F48  }
0xcb: {  	[sflag:s31] =	ssyncset.done @!p0 $0x0  }
0xcc: {  	s15 =	rddreg [dreg:$0x12];
	[sflag:s31] =	ssyncadd.s32 @!p0 $0xFFFFE0B8  }
0xcd: {  	[tilespmem:s1], [sflag:$0x1] =	stream.linear.gather [hbm4b:s15+s1], $0x200, $0x38;
	[tilespmem:$0xEE88] =	vst v63  }
0xce: {  	s17 =	rddreg [dreg:$0x13]  }
0xcf: {  	[tilespmem:s22], [sflag:$0x1] =	stream.linear.gather [hbm4b:s17+s1], $0x200, $0x38;
	[tilespmem:$0xEE88] =	vst v63  }
0xd0: {  	s15 =	rddreg [dreg:$0x14]  }
0xd1: {  	[tilespmem:s20], [sflag:$0x1] =	stream.linear.gather [hbm4b:s15+s1], $0x200, $0x38;
	[tilespmem:$0xEE88] =	vst v63  }
0xd2: {  	s17 =	rddreg [dreg:$0x15]  }
0xd3: {  	[tilespmem:s18], [sflag:$0x1] =	stream.linear.gather [hbm4b:s17+s1], $0x200, $0x38;
	[tilespmem:$0xEE88] =	vst v63  }
0xd4: {  	s15 =	rddreg [dreg:$0x16]  }
0xd5: {  	[tilespmem:s16], [sflag:$0x1] =	stream.linear.gather [hbm4b:s15+s1], $0x200, $0x38;
	[tilespmem:$0xEE88] =	vst v63  }
0xd6: {  	s17 =	rddreg [dreg:$0x17]  }
0xd7: {  	[tilespmem:s14], [sflag:$0x1] =	stream.linear.gather [hbm4b:s17+s1], $0x200, $0x38;
	[tilespmem:$0xEE88] =	vst v63  }
0xd8: {  	_ =	swait.ge [sflag:s24], $0x200  }
0xd9: {  	[sflag:s24] =	ssyncset.done $0x0  }
0xda: {  	[sflag:s24] =	ssyncadd.s32 $0xFFFFFE00  }
0xdb: {  	_ =	swait.ge [sflag:s24], $0x200  }
0xdc: {  	[sflag:s24] =	ssyncset.done $0x0  }
0xdd: {  	[sflag:s24] =	ssyncadd.s32 $0xFFFFFE00  }
0xde: {  	_ =	swait.ge [sflag:s24], $0x200  }
0xdf: {  	[sflag:s24] =	ssyncset.done $0x0  }
0xe0: {  	[sflag:s24] =	ssyncadd.s32 $0xFFFFFE00  }
0xe1: {  	_ =	swait.ge [sflag:s24], $0x200  }
0xe2: {  	[sflag:s24] =	ssyncset.done $0x0  }
0xe3: {  	[sflag:s24] =	ssyncadd.s32 $0xFFFFFE00  }
0xe4: {  	_ =	swait.ge [sflag:s24], $0x200  }
0xe5: {  	[sflag:s24] =	ssyncset.done $0x0  }
0xe6: {  	[sflag:s24] =	ssyncadd.s32 $0xFFFFFE00  }
0xe7: {  	_ =	swait.ge [sflag:s24], $0x200  }
0xe8: {  	[sflag:s24] =	ssyncset.done $0x0  }
0xe9: {  	[sflag:s24] =	ssyncadd.s32 $0xFFFFFE00  }
0xea: {  	[bflag:$0x0] =	sbarrier.arrive $0xFFFF  }
0xeb: {  	s17 =	rddreg [dreg:$0xd]  }
0xec: {  	[tilespmem:s6], [sflag:$0x5] =	stream.indirect.gather [hbm4b:s17+s22], $0x40, s1, s22, $0xb8;
	[tilespmem:$0xEE88] =	vst v63  }
0xed: {  	_ = 	snop  }
0xee: {  	[tilespmem:s9], [sflag:$0x3] =	stream.indirect.gather [spmem:s8], $0x40, s22, s13, $0xb8;
	[tilespmem:$0xEE88] =	vst v63  }
0xef: {  	_ =	swait.ge [sflag:s11], $0x4000  }
0xf0: {  	[sflag:s11] =	ssyncset.done $0x0  }
0xf1: {  	s17 =	rddreg [dreg:$0x18];
	[sflag:s11] =	ssyncadd.s32 $0xFFFFC000  }
0xf2: {  	[hbm4b:s17+s1] =	stream.linear.scatter [tilespmem:s9], [sflag:$0x4], $0x4000, $0x38;
	[tilespmem:$0xEE88] =	vst v63  }
0xf3: {  	_ =	swait.ge [sflag:s7], $0x4000  }
0xf4: {  	[sflag:s7] =	ssyncset.done $0x0  }
0xf5: {  	s17 =	simm.s32 $0x300;
	[sflag:s7] =	ssyncadd.s32 $0xFFFFC000  }
0xf6: {  	[tilespmem:s9], [sflag:$0x3] =	stream.indirect.gather [spmem:s8], $0x40, s17, s13, $0xb8;
	[tilespmem:$0xEE88] =	vst v63  }
0xf7: {  	_ =	swait.ge [sflag:s11], $0x4000  }
0xf8: {  	[sflag:s11] =	ssyncset.done $0x0  }
0xf9: {  	s17 =	rddreg [dreg:$0x19];
	[sflag:s11] =	ssyncadd.s32 $0xFFFFC000  }
0xfa: {  	[hbm4b:s17+s1] =	stream.linear.scatter [tilespmem:s9], [sflag:$0x4], $0x4000, $0x38;
	[tilespmem:$0xEE88] =	vst v63  }
0xfb: {  	_ =	swait.ge [sflag:s7], $0x4000  }
0xfc: {  	[sflag:s7] =	ssyncset.done $0x0  }
0xfd: {  	[sflag:s7] =	ssyncadd.s32 $0xFFFFC000  }
0xfe: {  	[tilespmem:s9], [sflag:$0x3] =	stream.indirect.gather [spmem:s5], $0x40, s20, s13, $0xb8;
	[tilespmem:$0xEE88] =	vst v63  }
0xff: {  	_ =	swait.ge [sflag:s11], $0x4000  }
0x100: {  	[sflag:s11] =	ssyncset.done $0x0  }
0x101: {  	s17 =	rddreg [dreg:$0x1a];
	[sflag:s11] =	ssyncadd.s32 $0xFFFFC000  }
0x102: {  	[hbm4b:s17+s1] =	stream.linear.scatter [tilespmem:s9], [sflag:$0x4], $0x4000, $0x38;
	[tilespmem:$0xEE88] =	vst v63  }
0x103: {  	_ =	swait.ge [sflag:s7], $0x4000  }
0x104: {  	[sflag:s7] =	ssyncset.done $0x0  }
0x105: {  	s17 =	simm.s32 $0x500;
	[sflag:s7] =	ssyncadd.s32 $0xFFFFC000  }
0x106: {  	[tilespmem:s9], [sflag:$0x3] =	stream.indirect.gather [spmem:s5], $0x40, s17, s13, $0xb8;
	[tilespmem:$0xEE88] =	vst v63  }
0x107: {  	_ =	swait.ge [sflag:s11], $0x4000  }
0x108: {  	[sflag:s11] =	ssyncset.done $0x0  }
0x109: {  	s17 =	rddreg [dreg:$0x1b];
	[sflag:s11] =	ssyncadd.s32 $0xFFFFC000  }
0x10a: {  	[hbm4b:s17+s1] =	stream.linear.scatter [tilespmem:s9], [sflag:$0x4], $0x4000, $0x38;
	[tilespmem:$0xEE88] =	vst v63  }
0x10b: {  	_ =	swait.ge [sflag:s7], $0x4000  }
0x10c: {  	[sflag:s7] =	ssyncset.done $0x0  }
0x10d: {  	[sflag:s7] =	ssyncadd.s32 $0xFFFFC000  }
0x10e: {  	[tilespmem:s9], [sflag:$0x3] =	stream.indirect.gather [spmem:s3], $0x40, s18, s13, $0xb8;
	[tilespmem:$0xEE88] =	vst v63  }
0x10f: {  	_ =	swait.ge [sflag:s11], $0x4000  }
0x110: {  	[sflag:s11] =	ssyncset.done $0x0  }
0x111: {  	s17 =	rddreg [dreg:$0x1c];
	[sflag:s11] =	ssyncadd.s32 $0xFFFFC000  }
0x112: {  	[hbm4b:s17+s1] =	stream.linear.scatter [tilespmem:s9], [sflag:$0x4], $0x4000, $0x38;
	[tilespmem:$0xEE88] =	vst v63  }
0x113: {  	_ =	swait.ge [sflag:s7], $0x4000  }
0x114: {  	[sflag:s7] =	ssyncset.done $0x0  }
0x115: {  	[sflag:s7] =	ssyncadd.s32 $0xFFFFC000  }
0x116: {  	[tilespmem:s9], [sflag:$0x3] =	stream.indirect.gather [spmem:s3], $0x40, s21, s13, $0xb8;
	[tilespmem:$0xEE88] =	vst v63  }
0x117: {  	_ =	swait.ge [sflag:s11], $0x4000  }
0x118: {  	[sflag:s11] =	ssyncset.done $0x0  }
0x119: {  	s17 =	rddreg [dreg:$0x1d];
	[sflag:s11] =	ssyncadd.s32 $0xFFFFC000  }
0x11a: {  	[hbm4b:s17+s1] =	stream.linear.scatter [tilespmem:s9], [sflag:$0x4], $0x4000, $0x38;
	[tilespmem:$0xEE88] =	vst v63  }
0x11b: {  	_ =	swait.ge [sflag:s7], $0x4000  }
0x11c: {  	[sflag:s7] =	ssyncset.done $0x0  }
0x11d: {  	[sflag:s7] =	ssyncadd.s32 $0xFFFFC000  }
0x11e: {  	[tilespmem:s9], [sflag:$0x3] =	stream.indirect.gather [spmem:s2], $0x40, s16, s13, $0xb8;
	[tilespmem:$0xEE88] =	vst v63  }
0x11f: {  	_ =	swait.ge [sflag:s11], $0x4000  }
0x120: {  	[sflag:s11] =	ssyncset.done $0x0  }
0x121: {  	s17 =	rddreg [dreg:$0x1e];
	[sflag:s11] =	ssyncadd.s32 $0xFFFFC000  }
0x122: {  	[hbm4b:s17+s1] =	stream.linear.scatter [tilespmem:s9], [sflag:$0x4], $0x4000, $0x38;
	[tilespmem:$0xEE88] =	vst v63  }
0x123: {  	_ =	swait.ge [sflag:s7], $0x4000  }
0x124: {  	[sflag:s7] =	ssyncset.done $0x0  }
0x125: {  	[sflag:s7] =	ssyncadd.s32 $0xFFFFC000  }
0x126: {  	[tilespmem:s9], [sflag:$0x3] =	stream.indirect.gather [spmem:s2], $0x40, s19, s13, $0xb8;
	[tilespmem:$0xEE88] =	vst v63  }
0x127: {  	_ =	swait.ge [sflag:s11], $0x4000  }
0x128: {  	[sflag:s11] =	ssyncset.done $0x0  }
0x129: {  	s17 =	rddreg [dreg:$0x1f];
	[sflag:s11] =	ssyncadd.s32 $0xFFFFC000  }
0x12a: {  	[hbm4b:s17+s1] =	stream.linear.scatter [tilespmem:s9], [sflag:$0x4], $0x4000, $0x38;
	[tilespmem:$0xEE88] =	vst v63  }
0x12b: {  	_ =	swait.ge [sflag:s7], $0x4000  }
0x12c: {  	[sflag:s7] =	ssyncset.done $0x0  }
0x12d: {  	[sflag:s7] =	ssyncadd.s32 $0xFFFFC000  }
0x12e: {  	[tilespmem:s9], [sflag:$0x3] =	stream.indirect.gather [spmem:s2], $0x40, s14, s13, $0xb8;
	[tilespmem:$0xEE88] =	vst v63  }
0x12f: {  	_ =	swait.ge [sflag:s11], $0x4000  }
0x130: {  	s17 =	sld [smem:$0x7FC]  }
0x131: {  	[sflag:s11] =	ssyncset.done $0x0  }
0x132: {  	[sflag:s11] =	ssyncadd.s32 $0xFFFFC000  }
0x133: {  	[hbm4b:s17+s1] =	stream.linear.scatter [tilespmem:s9], [sflag:$0x4], $0x4000, $0x38;
	[tilespmem:$0xEE88] =	vst v63  }
0x134: {  	_ =	swait.ge [sflag:s7], $0x4000  }
0x135: {  	[sflag:s7] =	ssyncset.done $0x0  }
0x136: {  	[sflag:s7] =	ssyncadd.s32 $0xFFFFC000  }
0x137: {  	[tilespmem:s9], [sflag:$0x3] =	stream.indirect.gather [spmem:s2], $0x40, s23, s13, $0xb8;
	[tilespmem:$0xEE88] =	vst v63  }
0x138: {  	_ =	swait.ge [sflag:s11], $0x4000  }
0x139: {  	s17 =	sld [smem:$0x7FD]  }
0x13a: {  	[sflag:s11] =	ssyncset.done $0x0  }
0x13b: {  	[sflag:s11] =	ssyncadd.s32 $0xFFFFC000  }
0x13c: {  	[hbm4b:s17+s1] =	stream.linear.scatter [tilespmem:s9], [sflag:$0x4], $0x4000, $0x38;
	[tilespmem:$0xEE88] =	vst v63  }
0x13d: {  	_ =	swait.ge [sflag:s7], $0x4000  }
0x13e: {  	[sflag:s7] =	ssyncset.done $0x0  }
0x13f: {  	s0 =	sadd.s32 $0xFFFFFFFF, s0;
	[sflag:s7] =	ssyncadd.s32 $0xFFFFC000  }
0x140: {  	p2 =	sne.s32 s0, $0x0;
	_ =	swait.ge [sflag:s12], $0x8000  }
.Ltmp2:
0x141: {  	[sflag:s12] =	ssyncset.done $0x0;
	(pc) =	sbr.rel @p2 .LBB2_3-.Ltmp2, $4  }
0x142: {  	[sflag:s12] =	ssyncadd.s32 $0xFFFF8000  }
0x143: {  	[hbm4b:s4+s1] =	stream.linear.scatter [tilespmem:s6], [sflag:$0x6], $0x8000, $0x38;
	[tilespmem:$0xEE88] =	vst v63  }
0x144: {  	_ =	swait.ge [sflag:s10], $0x8000  }
0x145: {  	s15 =	rddreg [dreg:$0xe];
	[sflag:s10] =	ssyncset.done $0x0  }
0x146: {  	s17 =	rddreg [dreg:$0xc];
	s19 =	simm.s32 $0xB00;
	s21 =	simm.s32 $0x900  }
0x147: {  	s23 =	simm.s32 $0x700;
	s30 =	simm.s32 $0x500;
	s31 =	simm.s32 $0x300  }
.LBB2_5:
0x148: {  	[sflag:s10] =	ssyncadd.s32 @p1 $0xFFFF8000;
	s0 =	simm.s32 @!p0 $0x1C02  }
0x149: {  	[spmem:s29], [sflag:s0] =	dma.local @!p0 [hbm:s15], $0x20  }
0x14a: {  	s15 =	rddreg [dreg:$0x10]  }
0x14b: {  	[spmem:s28], [sflag:s0] =	dma.local @!p0 [hbm:s15], $0x648  }
0x14c: {  	s15 =	rddreg [dreg:$0xf]  }
0x14d: {  	[spmem:s26], [sflag:s0] =	dma.local @!p0 [hbm:s15], $0x1F48  }
0x14e: {  	s15 =	rddreg [dreg:$0x11]  }
0x14f: {  	[spmem:s25], [sflag:s0] =	dma.local @!p0 [hbm:s15], $0x1F48  }
0x150: {  	s0 =	simm.s32 @!p0 $0x2  }
0x151: {  	_ =	swait.ge @!p0 [sflag:s0], $0x20  }
0x152: {  	[sflag:s0] =	ssyncset.done @!p0 $0x0  }
0x153: {  	[sflag:s0] =	ssyncadd.s32 @!p0 $0xFFFFFFE0  }
0x154: {  	_ =	swait.ge @!p0 [sflag:s0], $0x648  }
0x155: {  	[sflag:s0] =	ssyncset.done @!p0 $0x0  }
0x156: {  	[sflag:s0] =	ssyncadd.s32 @!p0 $0xFFFFF9B8  }
0x157: {  	_ =	swait.ge @!p0 [sflag:s0], $0x1F48  }
0x158: {  	[sflag:s0] =	ssyncset.done @!p0 $0x0  }
0x159: {  	[sflag:s0] =	ssyncadd.s32 @!p0 $0xFFFFE0B8  }
0x15a: {  	_ =	swait.ge @!p0 [sflag:s0], $0x1F48  }
0x15b: {  	[sflag:s0] =	ssyncset.done @!p0 $0x0  }
0x15c: {  	s25 =	rddreg [dreg:$0x12];
	[sflag:s0] =	ssyncadd.s32 @!p0 $0xFFFFE0B8  }
0x15d: {  	[tilespmem:s1], [sflag:$0x1] =	stream.linear.gather [hbm4b:s25+s1], $0x200, $0x38;
	[tilespmem:$0xEE88] =	vst v63  }
0x15e: {  	s26 =	rddreg [dreg:$0x13]  }
0x15f: {  	[tilespmem:s22], [sflag:$0x1] =	stream.linear.gather [hbm4b:s26+s1], $0x200, $0x38;
	[tilespmem:$0xEE88] =	vst v63  }
0x160: {  	s28 =	rddreg [dreg:$0x14]  }
0x161: {  	[tilespmem:s20], [sflag:$0x1] =	stream.linear.gather [hbm4b:s28+s1], $0x200, $0x38;
	[tilespmem:$0xEE88] =	vst v63  }
0x162: {  	s29 =	rddreg [dreg:$0x15]  }
0x163: {  	[tilespmem:s18], [sflag:$0x1] =	stream.linear.gather [hbm4b:s29+s1], $0x200, $0x38;
	[tilespmem:$0xEE88] =	vst v63  }
0x164: {  	s25 =	rddreg [dreg:$0x16]  }
0x165: {  	[tilespmem:s16], [sflag:$0x1] =	stream.linear.gather [hbm4b:s25+s1], $0x200, $0x38;
	[tilespmem:$0xEE88] =	vst v63  }
0x166: {  	s26 =	rddreg [dreg:$0x17]  }
0x167: {  	[tilespmem:s14], [sflag:$0x1] =	stream.linear.gather [hbm4b:s26+s1], $0x200, $0x38;
	[tilespmem:$0xEE88] =	vst v63  }
0x168: {  	_ =	swait.ge [sflag:s24], $0x200  }
0x169: {  	[sflag:s24] =	ssyncset.done $0x0  }
0x16a: {  	[sflag:s24] =	ssyncadd.s32 $0xFFFFFE00  }
0x16b: {  	_ =	swait.ge [sflag:s24], $0x200  }
0x16c: {  	[sflag:s24] =	ssyncset.done $0x0  }
0x16d: {  	[sflag:s24] =	ssyncadd.s32 $0xFFFFFE00  }
0x16e: {  	_ =	swait.ge [sflag:s24], $0x200  }
0x16f: {  	[sflag:s24] =	ssyncset.done $0x0  }
0x170: {  	[sflag:s24] =	ssyncadd.s32 $0xFFFFFE00  }
0x171: {  	_ =	swait.ge [sflag:s24], $0x200  }
0x172: {  	[sflag:s24] =	ssyncset.done $0x0  }
0x173: {  	[sflag:s24] =	ssyncadd.s32 $0xFFFFFE00  }
0x174: {  	_ =	swait.ge [sflag:s24], $0x200  }
0x175: {  	[sflag:s24] =	ssyncset.done $0x0  }
0x176: {  	[sflag:s24] =	ssyncadd.s32 $0xFFFFFE00  }
0x177: {  	_ =	swait.ge [sflag:s24], $0x200  }
0x178: {  	[sflag:s24] =	ssyncset.done $0x0  }
0x179: {  	[sflag:s24] =	ssyncadd.s32 $0xFFFFFE00  }
0x17a: {  	[bflag:$0x0] =	sbarrier.arrive $0xFFFF  }
0x17b: {  	s28 =	rddreg [dreg:$0xd]  }
0x17c: {  	[tilespmem:s6], [sflag:$0x5] =	stream.indirect.gather [hbm4b:s28+s22], $0x40, s1, s22, $0xb8;
	[tilespmem:$0xEE88] =	vst v63  }
0x17d: {  	_ = 	snop  }
0x17e: {  	[tilespmem:s9], [sflag:$0x3] =	stream.indirect.gather [spmem:s8], $0x40, s22, s13, $0xb8;
	[tilespmem:$0xEE88] =	vst v63  }
0x17f: {  	_ =	swait.ge [sflag:s11], $0x4000  }
0x180: {  	[sflag:s11] =	ssyncset.done $0x0  }
0x181: {  	s29 =	rddreg [dreg:$0x18];
	[sflag:s11] =	ssyncadd.s32 $0xFFFFC000  }
0x182: {  	[hbm4b:s29+s1] =	stream.linear.scatter [tilespmem:s9], [sflag:$0x4], $0x4000, $0x38;
	[tilespmem:$0xEE88] =	vst v63  }
0x183: {  	_ =	swait.ge [sflag:s7], $0x4000  }
0x184: {  	[sflag:s7] =	ssyncset.done $0x0  }
0x185: {  	[sflag:s7] =	ssyncadd.s32 $0xFFFFC000  }
0x186: {  	[tilespmem:s9], [sflag:$0x3] =	stream.indirect.gather [spmem:s8], $0x40, s31, s13, $0xb8;
	[tilespmem:$0xEE88] =	vst v63  }
0x187: {  	_ =	swait.ge [sflag:s11], $0x4000  }
0x188: {  	[sflag:s11] =	ssyncset.done $0x0  }
0x189: {  	s15 =	rddreg [dreg:$0x19];
	[sflag:s11] =	ssyncadd.s32 $0xFFFFC000  }
0x18a: {  	[hbm4b:s15+s1] =	stream.linear.scatter [tilespmem:s9], [sflag:$0x4], $0x4000, $0x38;
	[tilespmem:$0xEE88] =	vst v63  }
0x18b: {  	_ =	swait.ge [sflag:s7], $0x4000  }
0x18c: {  	[sflag:s7] =	ssyncset.done $0x0  }
0x18d: {  	[sflag:s7] =	ssyncadd.s32 $0xFFFFC000  }
0x18e: {  	[tilespmem:s9], [sflag:$0x3] =	stream.indirect.gather [spmem:s5], $0x40, s20, s13, $0xb8;
	[tilespmem:$0xEE88] =	vst v63  }
0x18f: {  	_ =	swait.ge [sflag:s11], $0x4000  }
0x190: {  	[sflag:s11] =	ssyncset.done $0x0  }
0x191: {  	s22 =	rddreg [dreg:$0x1a];
	[sflag:s11] =	ssyncadd.s32 $0xFFFFC000  }
0x192: {  	[hbm4b:s22+s1] =	stream.linear.scatter [tilespmem:s9], [sflag:$0x4], $0x4000, $0x38;
	[tilespmem:$0xEE88] =	vst v63  }
0x193: {  	_ =	swait.ge [sflag:s7], $0x4000  }
0x194: {  	[sflag:s7] =	ssyncset.done $0x0  }
0x195: {  	[sflag:s7] =	ssyncadd.s32 $0xFFFFC000  }
0x196: {  	[tilespmem:s9], [sflag:$0x3] =	stream.indirect.gather [spmem:s5], $0x40, s30, s13, $0xb8;
	[tilespmem:$0xEE88] =	vst v63  }
0x197: {  	_ =	swait.ge [sflag:s11], $0x4000  }
0x198: {  	[sflag:s11] =	ssyncset.done $0x0  }
0x199: {  	s24 =	rddreg [dreg:$0x1b];
	[sflag:s11] =	ssyncadd.s32 $0xFFFFC000  }
0x19a: {  	[hbm4b:s24+s1] =	stream.linear.scatter [tilespmem:s9], [sflag:$0x4], $0x4000, $0x38;
	[tilespmem:$0xEE88] =	vst v63  }
0x19b: {  	_ =	swait.ge [sflag:s7], $0x4000  }
0x19c: {  	[sflag:s7] =	ssyncset.done $0x0  }
0x19d: {  	[sflag:s7] =	ssyncadd.s32 $0xFFFFC000  }
0x19e: {  	[tilespmem:s9], [sflag:$0x3] =	stream.indirect.gather [spmem:s3], $0x40, s18, s13, $0xb8;
	[tilespmem:$0xEE88] =	vst v63  }
0x19f: {  	_ =	swait.ge [sflag:s11], $0x4000  }
0x1a0: {  	[sflag:s11] =	ssyncset.done $0x0  }
0x1a1: {  	s25 =	rddreg [dreg:$0x1c];
	[sflag:s11] =	ssyncadd.s32 $0xFFFFC000  }
0x1a2: {  	[hbm4b:s25+s1] =	stream.linear.scatter [tilespmem:s9], [sflag:$0x4], $0x4000, $0x38;
	[tilespmem:$0xEE88] =	vst v63  }
0x1a3: {  	_ =	swait.ge [sflag:s7], $0x4000  }
0x1a4: {  	[sflag:s7] =	ssyncset.done $0x0  }
0x1a5: {  	[sflag:s7] =	ssyncadd.s32 $0xFFFFC000  }
0x1a6: {  	[tilespmem:s9], [sflag:$0x3] =	stream.indirect.gather [spmem:s3], $0x40, s23, s13, $0xb8;
	[tilespmem:$0xEE88] =	vst v63  }
0x1a7: {  	_ =	swait.ge [sflag:s11], $0x4000  }
0x1a8: {  	[sflag:s11] =	ssyncset.done $0x0  }
0x1a9: {  	s26 =	rddreg [dreg:$0x1d];
	[sflag:s11] =	ssyncadd.s32 $0xFFFFC000  }
0x1aa: {  	[hbm4b:s26+s1] =	stream.linear.scatter [tilespmem:s9], [sflag:$0x4], $0x4000, $0x38;
	[tilespmem:$0xEE88] =	vst v63  }
0x1ab: {  	_ =	swait.ge [sflag:s7], $0x4000  }
0x1ac: {  	[sflag:s7] =	ssyncset.done $0x0  }
0x1ad: {  	[sflag:s7] =	ssyncadd.s32 $0xFFFFC000  }
0x1ae: {  	[tilespmem:s9], [sflag:$0x3] =	stream.indirect.gather [spmem:s2], $0x40, s16, s13, $0xb8;
	[tilespmem:$0xEE88] =	vst v63  }
0x1af: {  	_ =	swait.ge [sflag:s11], $0x4000  }
0x1b0: {  	[sflag:s11] =	ssyncset.done $0x0  }
0x1b1: {  	s28 =	rddreg [dreg:$0x1e];
	[sflag:s11] =	ssyncadd.s32 $0xFFFFC000  }
0x1b2: {  	[hbm4b:s28+s1] =	stream.linear.scatter [tilespmem:s9], [sflag:$0x4], $0x4000, $0x38;
	[tilespmem:$0xEE88] =	vst v63  }
0x1b3: {  	_ =	swait.ge [sflag:s7], $0x4000  }
0x1b4: {  	[sflag:s7] =	ssyncset.done $0x0  }
0x1b5: {  	[sflag:s7] =	ssyncadd.s32 $0xFFFFC000  }
0x1b6: {  	[tilespmem:s9], [sflag:$0x3] =	stream.indirect.gather [spmem:s2], $0x40, s21, s13, $0xb8;
	[tilespmem:$0xEE88] =	vst v63  }
0x1b7: {  	_ =	swait.ge [sflag:s11], $0x4000  }
0x1b8: {  	[sflag:s11] =	ssyncset.done $0x0  }
0x1b9: {  	s29 =	rddreg [dreg:$0x1f];
	[sflag:s11] =	ssyncadd.s32 $0xFFFFC000  }
0x1ba: {  	[hbm4b:s29+s1] =	stream.linear.scatter [tilespmem:s9], [sflag:$0x4], $0x4000, $0x38;
	[tilespmem:$0xEE88] =	vst v63  }
0x1bb: {  	_ =	swait.ge [sflag:s7], $0x4000  }
0x1bc: {  	[sflag:s7] =	ssyncset.done $0x0  }
0x1bd: {  	[sflag:s7] =	ssyncadd.s32 $0xFFFFC000  }
0x1be: {  	[tilespmem:s9], [sflag:$0x3] =	stream.indirect.gather [spmem:s2], $0x40, s14, s13, $0xb8;
	[tilespmem:$0xEE88] =	vst v63  }
0x1bf: {  	_ =	swait.ge [sflag:s11], $0x4000  }
0x1c0: {  	s30 =	sld [smem:$0x7FC]  }
0x1c1: {  	[sflag:s11] =	ssyncset.done $0x0  }
0x1c2: {  	[sflag:s11] =	ssyncadd.s32 $0xFFFFC000  }
0x1c3: {  	[hbm4b:s30+s1] =	stream.linear.scatter [tilespmem:s9], [sflag:$0x4], $0x4000, $0x38;
	[tilespmem:$0xEE88] =	vst v63  }
0x1c4: {  	_ =	swait.ge [sflag:s7], $0x4000  }
0x1c5: {  	[sflag:s7] =	ssyncset.done $0x0  }
0x1c6: {  	[sflag:s7] =	ssyncadd.s32 $0xFFFFC000  }
0x1c7: {  	[tilespmem:s9], [sflag:$0x3] =	stream.indirect.gather [spmem:s2], $0x40, s19, s13, $0xb8;
	[tilespmem:$0xEE88] =	vst v63  }
0x1c8: {  	_ =	swait.ge [sflag:s11], $0x4000  }
0x1c9: {  	s31 =	sld [smem:$0x7FD]  }
0x1ca: {  	[sflag:s11] =	ssyncset.done $0x0  }
0x1cb: {  	[sflag:s11] =	ssyncadd.s32 $0xFFFFC000  }
0x1cc: {  	[hbm4b:s31+s1] =	stream.linear.scatter [tilespmem:s9], [sflag:$0x4], $0x4000, $0x38;
	[tilespmem:$0xEE88] =	vst v63  }
0x1cd: {  	_ =	swait.ge [sflag:s7], $0x4000  }
0x1ce: {  	[sflag:s7] =	ssyncset.done $0x0  }
0x1cf: {  	[sflag:s7] =	ssyncadd.s32 $0xFFFFC000  }
0x1d0: {  	_ =	swait.ge [sflag:s12], $0x8000  }
0x1d1: {  	[sflag:s12] =	ssyncset.done $0x0  }
0x1d2: {  	[sflag:s12] =	ssyncadd.s32 $0xFFFF8000  }
0x1d3: {  	[hbm4b:s4+s1] =	stream.linear.scatter [tilespmem:s6], [sflag:$0x6], $0x8000, $0x38;
	[tilespmem:$0xEE88] =	vst v63  }
0x1d4: {  	_ =	swait.ge [sflag:s10], $0x8000  }
0x1d5: {  	[sflag:s10] =	ssyncset.done $0x0  }
0x1d6: {  	[sflag:s10] =	ssyncadd.s32 $0xFFFF8000  }
0x1d7: {  	_ =	sfence.sel $0x180000  }
0x1d8: {  	[bflag:$0x0] =	sbarrier.arrive $0xFFFF  }
0x1d9: {  	_ =	strace $0x90000047  }
0x1da: {  	s0 =	sadd.s32 @!p0 $0x100000, s17;
	[bflag:$0x2] =	sbarrier.arrive $0xFFFF  }
0x1db: {  	[sflag:s0] =	ssyncadd.tile.s32 @!p0 $0x1;
	_ =	shalt  }
.LBB2_2:
.Ltmp3:
0x1dc: {  	(pc) =	sbr.rel .LBB2_5-.Ltmp3, $3  }
0x1dd: {  	_ =	sdelay $0x1  }
0x1de: {  	s17 =	rddreg [dreg:$0xc];
	s19 =	simm.s32 $0xB00;
	s21 =	simm.s32 $0x900  }
0x1df: {  	s23 =	simm.s32 $0x700;
	s30 =	simm.s32 $0x500;
	s31 =	simm.s32 $0x300  }
.Lfunc_end2:
_tile_overlayer_lowered:
.L_overlay_start_2:
0x1e0: {  	(tag) =	ssettag $0x2  }
0x1e1: {  	s0 =	rddreg [dreg:$0x0];
	s2 =	stileid.u32  }
0x1e2: {  	s1 =	rddreg [dreg:$0x1];
	p0 =	sne.s32 s2, $0x0  }
0x1e3: {  	s3 =	rddreg [dreg:$0x2];
	[bflag:$0x3] =	sbarrier.arrive $0xFFFF;
	s2 =	simm.s32 @!p0 $0x1C07  }
0x1e4: {  	[timem:s3], [sflag:s2] =	dma.local @!p0 [hbm:s0], s1  }
0x1e5: {  	s0 =	simm.s32 @!p0 $0x7  }
0x1e6: {  	_ =	swait.ge @!p0 [sflag:s0], s1  }
0x1e7: {  	s1 =	ssub.s32 @!p0 $0x0, s1;
	[sflag:s0] =	ssyncset.done @!p0 $0x0  }
0x1e8: {  	[sflag:s0] =	ssyncadd.s32 @!p0 s1  }
0x1e9: {  	[bflag:$0x3] =	sbarrier.arrive $0xFFFF  }
0x1ea: {  	_ =	shalt  }

// kernel: kernel.8.cloned.1.call-start
scs
__scs_entry_jumppad:
0x0: {  	(pc) =	sbr.rel $0x88, $3  }
0x1: {  	(tag) =	ssettag $0x0;
	lr =	simm.s32 $0x1  }
0x2: {  	[smem:$0x3F83] =	sst lr;
	_ =	strace $0xD0000000  }
0x3: {  	_ = 	snop  }
0x4: {  	_ = 	snop  }
0x5: {  	_ = 	snop  }
0x6: {  	_ = 	snop  }
0x7: {  	_ = 	snop  }
__scs_overlays_trampoline_lowered:
0x8: {  	[smem:$0x3F92] =	sst s0  }
0x9: {  	[smem:$0x3F93] =	sst s1  }
0xa: {  	[smem:$0x3F94] =	sst s2  }
0xb: {  	[smem:$0x3F95] =	sst s3  }
0xc: {  	[smem:$0x3F96] =	sst s4  }
0xd: {  	[smem:$0x3F97] =	sst s5  }
0xe: {  	[smem:$0x3F98] =	sst s6  }
0xf: {  	[smem:$0x3F99] =	sst s7  }
0x10: {  	[smem:$0x3F9A] =	sst s8  }
0x11: {  	[smem:$0x3F9B] =	sst s9;
	s0 =	simm.s32 @!p0 $0x0  }
0x12: {  	s1 =	sld [smem:$0x3F81];
	s0 =	simm.s32 @p0 $0x1  }
0x13: {  	[smem:$0x3F9C] =	sst s0;
	s0 =	simm.s32 @!p1 $0x0  }
0x14: {  	s2 =	sld [smem:$0x3F80];
	s0 =	simm.s32 @p1 $0x1  }
0x15: {  	[smem:$0x3F9D] =	sst s0;
	s0 =	simm.s32 @!p2 $0x0  }
0x16: {  	s3 =	sld [smem:$0x3FDB];
	s0 =	simm.s32 @p2 $0x1  }
0x17: {  	s4 =	simm.s32 $0x1BF5;
	[smem:$0x3F9F] =	sst s0  }
0x18: {  	s0 =	sld [smem:$0x3F82];
	_ =	swait.ge [sflag:s4], $0x0  }
0x19: {  	s7 =	sld [smem:$0x3F83]  }
0x1a: {  	s8 =	sadd.s32 $0xFFFFE003, lr  }
0x1b: {  	s9 =	sadd.s32 $0xFFFFFEF7, lr;
	s5 =	simm.s32 $0xFFFFFFFF;
	p2 =	slt.u32 s8, $0xFFFFF086  }
0x1c: {  	p1 =	slt.u32 s9, $0xF7A;
	s5 =	simm.s32 @!p2 $0x0  }
0x1d: {  	s5 =	simm.s32 @p1 $0x1;
	p0 =	seq.s32 s7, s2  }
0x1e: {  	s7 =	smul.u32 @!p0 $0xF7A, s2;
	p2 =	seq.s32 @!p0 s5, $0x0  }
0x1f: {  	s9 =	smul.u32 $0xF7A, s1;
	s8 =	simm.s32 @!p0 $0x1BF5;
	p2 =	por !p2, p0  }
0x20: {  	[sflag:s8] =	ssyncset.s32 @!p0 $0xFFFFF086;
	s6 =	sadd.s32 @!p0 s3, s7;
	s7 =	simm.s32 @!p0 $0x108  }
0x21: {  	s3 =	sadd.s32 s3, s9;
	s6 =	sadd.s32 @!p0 $0x88, s6;
	s7 =	simm.s32 @p2 $0x1082  }
0x22: {  	[simem:s7], [sflag:s8] =	dma.local @!p0 [hbm:s6], $0xF7A  }
0x23: {  	s9 =	sor.u32 $0xD0000000, s2;
	s6 =	simm.s32 $0x108;
	_ =	swait.ge @!p0 [sflag:s8], $0x0  }
0x24: {  	s3 =	sadd.s32 $0x88, s3;
	s6 =	simm.s32 @!p1 $0x1082;
	[sflag:s4] =	ssyncset.s32 $0xFFFFF086  }
0x25: {  	[simem:s6], [sflag:s4] =	dma.local [hbm:s3], $0xF7A  }
0x26: {  	[smem:$0x3F83] =	sst s1;
	(tag) =	ssettag s2;
	_ =	strace s9  }
0x27: {  	s1 =	sld [smem:$0x3F93]  }
0x28: {  	s2 =	sld [smem:$0x3F94]  }
0x29: {  	s4 =	sld [smem:$0x3F96]  }
0x2a: {  	p0 =	seq.s32 s5, $0x0;
	s5 =	sld [smem:$0x3F97]  }
0x2b: {  	s6 =	sld [smem:$0x3F98]  }
0x2c: {  	s7 =	sld [smem:$0x3F99]  }
0x2d: {  	s3 =	simm.s32 $0x108;
	s8 =	sld [smem:$0x3F9A]  }
0x2e: {  	s3 =	simm.s32 @!p0 $0x1082;
	s9 =	sld [smem:$0x3F9B]  }
0x2f: {  	lr =	sadd.s32 s0, s3;
	s0 =	sld [smem:$0x3F92]  }
0x30: {  	s3 =	sld [smem:$0x3F95]  }
0x31: {  	[smem:$0x3F9E] =	sst s10  }
0x32: {  	s10 =	sld [smem:$0x3F9C];
	_ =	sdelay $0x3  }
0x33: {  	p0 =	seq.s32 s10, $0x1;
	s10 =	sld [smem:$0x3F9E];
	_ =	sdelay $0x3  }
0x34: {  	[smem:$0x3F9E] =	sst s10  }
0x35: {  	s10 =	sld [smem:$0x3F9D];
	_ =	sdelay $0x3  }
0x36: {  	p1 =	seq.s32 s10, $0x1;
	s10 =	sld [smem:$0x3F9E];
	_ =	sdelay $0x3  }
0x37: {  	[smem:$0x3F9E] =	sst s10  }
0x38: {  	s10 =	sld [smem:$0x3F9F]  }
0x39: {  	_ = 	snop;
	(pc) =	sbr.ind lr, $3  }
0x3a: {  	_ = 	snop  }
0x3b: {  	_ = 	snop  }
0x3c: {  	p2 =	seq.s32 s10, $0x1;
	s10 =	sld [smem:$0x3F9E]  }
0x3d: {  	_ =	shalt  }
0x3e: {  	_ =	shalt  }
0x3f: {  	_ =	shalt  }
0x40: {  	_ =	shalt  }
0x41: {  	_ =	shalt  }
0x42: {  	_ =	shalt  }
0x43: {  	_ =	shalt  }
0x44: {  	_ =	shalt  }
0x45: {  	_ =	shalt  }
0x46: {  	_ =	shalt  }
0x47: {  	_ =	shalt  }
0x48: {  	_ =	shalt  }
0x49: {  	_ =	shalt  }
0x4a: {  	_ =	shalt  }
0x4b: {  	_ =	shalt  }
0x4c: {  	_ =	shalt  }
0x4d: {  	_ =	shalt  }
0x4e: {  	_ =	shalt  }
0x4f: {  	_ =	shalt  }
0x50: {  	_ =	shalt  }
0x51: {  	_ =	shalt  }
0x52: {  	_ =	shalt  }
0x53: {  	_ =	shalt  }
0x54: {  	_ =	shalt  }
0x55: {  	_ =	shalt  }
0x56: {  	_ =	shalt  }
0x57: {  	_ =	shalt  }
0x58: {  	_ =	shalt  }
0x59: {  	_ =	shalt  }
0x5a: {  	_ =	shalt  }
0x5b: {  	_ =	shalt  }
0x5c: {  	_ =	shalt  }
0x5d: {  	_ =	shalt  }
0x5e: {  	_ =	shalt  }
0x5f: {  	_ =	shalt  }
0x60: {  	_ =	shalt  }
0x61: {  	_ =	shalt  }
0x62: {  	_ =	shalt  }
0x63: {  	_ =	shalt  }
0x64: {  	_ =	shalt  }
0x65: {  	_ =	shalt  }
0x66: {  	_ =	shalt  }
0x67: {  	_ =	shalt  }
0x68: {  	_ =	shalt  }
0x69: {  	_ =	shalt  }
0x6a: {  	_ =	shalt  }
0x6b: {  	_ =	shalt  }
0x6c: {  	_ =	shalt  }
0x6d: {  	_ =	shalt  }
0x6e: {  	_ =	shalt  }
0x6f: {  	_ =	shalt  }
0x70: {  	_ =	shalt  }
0x71: {  	_ =	shalt  }
0x72: {  	_ =	shalt  }
0x73: {  	_ =	shalt  }
0x74: {  	_ =	shalt  }
0x75: {  	_ =	shalt  }
0x76: {  	_ =	shalt  }
0x77: {  	_ =	shalt  }
0x78: {  	_ =	shalt  }
0x79: {  	_ =	shalt  }
0x7a: {  	_ =	shalt  }
0x7b: {  	_ =	shalt  }
0x7c: {  	_ =	shalt  }
0x7d: {  	_ =	shalt  }
0x7e: {  	_ =	shalt  }
0x7f: {  	_ =	shalt  }
0x80: {  	_ =	shalt  }
0x81: {  	_ =	shalt  }
0x82: {  	_ =	shalt  }
0x83: {  	_ =	shalt  }
0x84: {  	_ =	shalt  }
0x85: {  	_ =	shalt  }
0x86: {  	_ =	shalt  }
0x87: {  	_ =	shalt  }
.Lfunc_end0:
.L_simem_size_0:
called_computation.1_lowered:
.L_overlay_start_0:
0x88: {  	s2 =	sld [smem:$0x3FD9]  }
0x89: {  	s3 =	sld [smem:$0x3FFE];
	_ =	sdelay $0x1  }
0x8a: {  	s1 =	srdreg.scid  }
0x8b: {  	s0 =	sand.u32 $0x1, s1  }
0x8c: {  	s17 =	sshll.u32 s0, $0xA;
	s2 =	sadd.s32 s3, s2  }
0x8d: {  	s2 =	sadd.s32 s2, s17  }
0x8e: {  	[smem:$0x3FAA] =	sst s2  }
0x8f: {  	_ = 	snop  }
0x90: {  	s18 =	sld [smem:$0x3FC5]  }
0x91: {  	s4 =	sld [smem:$0x3FC3];
	(tm) =	ssettm $0x1  }
0x92: {  	s19 =	sld [smem:$0x3FFB];
	_ =	sdelay $0x3  }
0x93: {  	_ =	strace s19  }
0x94: {  	s2 =	sld [smem:$0x3FFC];
	_ =	sdelay $0x3  }
0x95: {  	_ =	strace s2  }
0x96: {  	s2 =	sld [smem:$0x3FFD];
	_ =	sdelay $0x3  }
0x97: {  	_ =	strace s2  }
0x98: {  	_ =	strace $0x8FFFFFFF  }
0x99: {  	s20 =	sld [smem:$0x3FDB];
	_ =	sdelay $0x1  }
0x9a: {  	s5 =	simm.s32 $_scs_section_size  }
0x9b: {  	s6 =	simm.s32 $_size__tile_overlayer_lowered;
	s7 =	simm.s32 $_tile_overlayer_lowered  }
0x9c: {  	s8 =	simm.s32 $0x1BFF;
	s21 =	sshll.u32 s7, $0x1;
	s5 =	sadd.s32 s5, s20  }
0x9d: {  	s22 =	simm.s32 $0x0;
	s6 =	sshll.u32 s6, $0x1;
	s7 =	sadd.s32 s21, s5  }
0x9e: {  	[timem:s22], [sflag:s8] =	dma.local [hbm:s7], s6  }
0x9f: {  	_ =	swait.ge [sflag:s8], s6  }
0xa0: {  	s6 =	ssub.s32 $0x0, s6;
	[sflag:s8] =	ssyncset.done $0x0  }
0xa1: {  	[sflag:s8] =	ssyncadd.s32 s6;
	_ =	sdelay $0x1  }
0xa2: {  	s23 =	simm.s32 $0x1B8B  }
0xa3: {  	_ =	swait.ge [sflag:s23], $0x1  }
0xa4: {  	[sflag:s23] =	ssyncset.done $0x0  }
0xa5: {  	[sflag:s23] =	ssyncadd.s32 $0xFFFFFFFF  }
0xa6: {  	s6 =	sld [smem:$0x0]  }
0xa7: {  	s7 =	sand.u32 $0xFFFFFFFE, s1  }
0xa8: {  	p0 =	sne.s32 s1, s7  }
0xa9: {  	s7 =	sshll.u32 @p0 s7, $0xE  }
0xaa: {  	s7 =	sadd.s32 @p0 $0x11B8D, s7;
	s8 =	sshll.u32 @p0 s6, $0x11  }
0xab: {  	s7 =	sor.u32 @p0 s8, s7  }
0xac: {  	[sflag:s7] =	ssyncadd.remote.s32 @p0 $0x1;
	_ =	sdelay $0x1  }
0xad: {  	s7 =	simm.s32 @p0 $0x1B8D  }
0xae: {  	_ =	swait.eq @p0 [sflag:s7], $0x1  }
0xaf: {  	[sflag:s7] =	ssyncadd.s32 @p0 $0xFFFFFFFF  }
0xb0: {  	s8 =	sshll.u32 @!p0 s1, $0xE  }
0xb1: {  	s8 =	sor.u32 @!p0 $0x4000, s8;
	s7 =	simm.s32 @!p0 $0x1B8D  }
0xb2: {  	s6 =	sshll.u32 @!p0 s6, $0x11;
	s8 =	sadd.s32 @!p0 $0x11B8D, s8;
	_ =	swait.eq @!p0 [sflag:s7], $0x1  }
0xb3: {  	s6 =	sor.u32 @!p0 s6, s8;
	[sflag:s7] =	ssyncadd.s32 @!p0 $0xFFFFFFFF  }
0xb4: {  	s25 =	simm.s32 $0x1B8E;
	s24 =	sld [smem:$0x3FFE];
	[sflag:s6] =	ssyncadd.remote.s32 @!p0 $0x1  }
0xb5: {  	s26 =	simm.s32 $execute0_lowered;
	[smem:$0x3FD2] =	sst s25  }
0xb6: {  	s7 =	sshll.u32 s26, $0x1;
	_ =	strace $0x80000049;
	[dreg:$0x1] =	wrdreg $0xFFFFFFFF  }
0xb7: {  	s28 =	simm.s32 $_size_execute0_lowered;
	s5 =	sadd.s32 s5, s7;
	[dreg:$0x0] =	wrdreg $0x0  }
0xb8: {  	s7 =	sshll.u32 s28, $0x1;
	[dreg:$0x2] =	wrdreg s5  }
0xb9: {  	[dreg:$0x3] =	wrdreg s7  }
0xba: {  	[dreg:$0x4] =	wrdreg $0xC0  }
0xbb: {  	_ =	task [dreg:s22], $0x5FFFF  }
0xbc: {  	[dreg:$0x1] =	wrdreg $0xFFFFFFFF  }
0xbd: {  	[dreg:$0x0] =	wrdreg $0x60  }
0xbe: {  	[dreg:$0x2] =	wrdreg s24  }
0xbf: {  	[dreg:$0x3] =	wrdreg s18  }
0xc0: {  	[dreg:$0x4] =	wrdreg s4  }
0xc1: {  	[dreg:$0x5] =	wrdreg $0xA  }
0xc2: {  	_ =	task.clear_ibuf [dreg:s22], $0x6FFFF;
	_ =	strace $0x90000049  }
0xc3: {  	s29 =	simm.s32 $0xA;
	_ =	strace $0x8000004B  }
0xc4: {  	_ =	swait.ge [sflag:s29], $0x1  }
0xc5: {  	[sflag:s29] =	ssyncadd.s32 $0xFFFFFFFF  }
0xc6: {  	_ =	strace $0x9000004B  }
0xc7: {  	_ =	sfence  }
0xc8: {  	s30 =	sld [smem:$0x0];
	_ =	sdelay $0x2  }
0xc9: {  	s31 =	sshll.u32 s1, $0xD;
	s1 =	sshrl.u32 s1, $0x2  }
0xca: {  	s4 =	sand.u32 $0x4000, s31;
	s1 =	sadd.s32 s1, s30  }
0xcb: {  	s0 =	sor.u32 s4, s0;
	s1 =	sshll.u32 s1, $0x11  }
0xcc: {  	s0 =	sor.u32 s1, s0  }
0xcd: {  	s0 =	sadd.s32 $0x8F2B, s0  }
0xce: {  	[sflag:s0] =	ssyncadd.remote.s32 $0x1  }
0xcf: {  	_ =	sfence.sel $0xFFFF  }
0xd0: {  	[dreg:$0x0] =	wrdreg $0xFFFFFFFF;
	(pc) =	sbr.abs _section_cstart, $3  }
0xd1: {  	[dreg:$0x1] =	wrdreg $0xFFFFFFFF  }
0xd2: {  	_ =	task.clear_ibuf [dreg:s22], $0x2FFFF;
	_ =	strace $0x9FFFFFFF  }
0xd3: {  	(tm) =	ssettm $0x7FFFFFFF  }
tec
execute0_lowered:
.L_overlay_start_1:
0x0: {  	(tag) =	ssettag $0x1  }
0x1: {  	s1 =	srdreg.scid  }
0x2: {  	s11 =	rddreg [dreg:$0x0];
	s0 =	stileid.u32;
	s13 =	sand.u32 $0x1, s1  }
0x3: {  	s3 =	rddreg [dreg:$0x1];
	s5 =	sshll.u32 s0, $0xA;
	s6 =	sshll.u32 s13, $0x9  }
0x4: {  	s4 =	rddreg [dreg:$0x2];
	s2 =	simm.s32 $0x0;
	s12 =	sor.u32 s6, s5  }
0x5: {  	[smem:$0x7FF] =	sst s2;
	s5 =	sshrl.u32 s12, $0x3  }
0x6: {  	s1 =	rddreg [dreg:$0x3];
	_ =	strace $0x8000004A;
	s3 =	sadd.s32 s3, s5  }
0x7: {  	[tilespmem:s2], [sflag:$0x1] =	stream.linear.gather [hbm4b:s3+s2], $0x200, $0x38;
	[tilespmem:$0x10400] =	vst v63  }
0x8: {  	s6 =	simm.s32 $0x1;
	s4 =	sadd.s32 s4, s5;
	s5 =	simm.s32 $0x200  }
0x9: {  	[tilespmem:s5], [sflag:$0x1] =	stream.linear.gather [hbm4b:s4+s2], $0x200, $0x38;
	[tilespmem:$0x10400] =	vst v63  }
0xa: {  	_ =	swait.ge [sflag:s6], $0x200  }
0xb: {  	[sflag:s6] =	ssyncset.done $0x0  }
0xc: {  	[sflag:s6] =	ssyncadd.s32 $0xFFFFFE00  }
0xd: {  	_ =	swait.ge [sflag:s6], $0x200  }
0xe: {  	[sflag:s6] =	ssyncset.done $0x0  }
0xf: {  	s8 =	simm.s32 $0x400;
	s7 =	sadd.s32 $0x3D6A00, s11;
	[sflag:s6] =	ssyncadd.s32 $0xFFFFFE00  }
0x10: {  	[tilespmem:s8], [sflag:$0x2] =	stream.indirect.gather [hbm4b:s7+s5], $0x40, s2, s5, $0xb8;
	[tilespmem:$0x10400] =	vst v63  }
0x11: {  	s9 =	simm.s32 $0x8400;
	s10 =	simm.s32 $0x2  }
0x12: {  	[tilespmem:s9], [sflag:$0x3] =	stream.indirect.gather [hbm4b:s7+s5], $0x40, s5, s5, $0xb8;
	[tilespmem:$0x10400] =	vst v63  }
0x13: {  	s15 =	ssub.s32 $0x2, s13;
	s12 =	sshll.u32 s12, $0x3;
	_ =	swait.ge [sflag:s10], $0x8000  }
0x14: {  	s16 =	sshrl.u32 s15, $0x1;
	s14 =	sadd.s32 s12, s11;
	[sflag:s10] =	ssyncset.done $0x0  }
0x15: {  	s12 =	simm.s32 $0x3;
	s11 =	sadd.s32 $0xC9E00, s14;
	[sflag:s10] =	ssyncadd.s32 $0xFFFF8000  }
0x16: {  	[hbm4b:s11+s2] =	stream.linear.scatter [tilespmem:s8], [sflag:$0x4], $0x8000, $0x38;
	[tilespmem:$0x10400] =	vst v63  }
0x17: {  	s15 =	ssub.s32 s15, s16;
	_ =	swait.ge [sflag:s12], $0x8000  }
0x18: {  	s16 =	smax.u32 s15, $0x1;
	s13 =	sadd.s32 $0xE9E00, s14;
	[sflag:s12] =	ssyncset.done $0x0  }
0x19: {  	s14 =	simm.s32 $0x4;
	p0 =	sne.s32 s16, $0x1;
	[sflag:s12] =	ssyncadd.s32 $0xFFFF8000  }
0x1a: {  	[hbm4b:s13+s2] =	stream.linear.scatter [tilespmem:s9], [sflag:$0x5], $0x8000, $0x38;
	[tilespmem:$0x10400] =	vst v63  }
.Ltmp0:
0x1b: {  	_ =	swait.ge [sflag:s14], $0x8000;
	(pc) =	sbr.rel @!p0 .LBB2_2-.Ltmp0, $4  }
0x1c: {  	[sflag:s14] =	ssyncset.done $0x0  }
0x1d: {  	s15 =	simm.s32 $0x5;
	[sflag:s14] =	ssyncadd.s32 $0xFFFF8000  }
0x1e: {  	_ =	swait.ge [sflag:s15], $0x8000  }
0x1f: {  	s16 =	sadd.s32 $0xFFFFFFFF, s16;
	[sflag:s15] =	ssyncset.done $0x0  }
.LBB2_1:
0x20: {  	p0 =	sne.s32 s16, $0x1;
	s16 =	sadd.s32 $0xFFFFFFFF, s16;
	[sflag:s15] =	ssyncadd.s32 $0xFFFF8000  }
0x21: {  	[tilespmem:s2], [sflag:$0x1] =	stream.linear.gather [hbm4b:s3+s2], $0x200, $0x38;
	[tilespmem:$0x10400] =	vst v63  }
0x22: {  	_ = 	snop  }
0x23: {  	[tilespmem:s5], [sflag:$0x1] =	stream.linear.gather [hbm4b:s4+s2], $0x200, $0x38;
	[tilespmem:$0x10400] =	vst v63  }
0x24: {  	_ =	swait.ge [sflag:s6], $0x200  }
0x25: {  	[sflag:s6] =	ssyncset.done $0x0  }
0x26: {  	[sflag:s6] =	ssyncadd.s32 $0xFFFFFE00  }
0x27: {  	_ =	swait.ge [sflag:s6], $0x200  }
0x28: {  	[sflag:s6] =	ssyncset.done $0x0  }
0x29: {  	[sflag:s6] =	ssyncadd.s32 $0xFFFFFE00  }
0x2a: {  	[tilespmem:s8], [sflag:$0x2] =	stream.indirect.gather [hbm4b:s7+s5], $0x40, s2, s5, $0xb8;
	[tilespmem:$0x10400] =	vst v63  }
0x2b: {  	_ = 	snop  }
0x2c: {  	[tilespmem:s9], [sflag:$0x3] =	stream.indirect.gather [hbm4b:s7+s5], $0x40, s5, s5, $0xb8;
	[tilespmem:$0x10400] =	vst v63  }
0x2d: {  	_ =	swait.ge [sflag:s10], $0x8000  }
0x2e: {  	[sflag:s10] =	ssyncset.done $0x0  }
0x2f: {  	[sflag:s10] =	ssyncadd.s32 $0xFFFF8000  }
0x30: {  	[hbm4b:s11+s2] =	stream.linear.scatter [tilespmem:s8], [sflag:$0x4], $0x8000, $0x38;
	[tilespmem:$0x10400] =	vst v63  }
0x31: {  	_ =	swait.ge [sflag:s12], $0x8000  }
0x32: {  	[sflag:s12] =	ssyncset.done $0x0  }
0x33: {  	[sflag:s12] =	ssyncadd.s32 $0xFFFF8000  }
0x34: {  	[hbm4b:s13+s2] =	stream.linear.scatter [tilespmem:s9], [sflag:$0x5], $0x8000, $0x38;
	[tilespmem:$0x10400] =	vst v63  }
.Ltmp1:
0x35: {  	_ =	swait.ge [sflag:s14], $0x8000;
	(pc) =	sbr.rel @p0 .LBB2_1-.Ltmp1, $4  }
0x36: {  	[sflag:s14] =	ssyncset.done $0x0  }
0x37: {  	[sflag:s14] =	ssyncadd.s32 $0xFFFF8000  }
0x38: {  	_ =	swait.ge [sflag:s15], $0x8000  }
0x39: {  	[sflag:s15] =	ssyncset.done $0x0  }
.LBB2_2:
0x3a: {  	[sflag:s15] =	ssyncadd.s32 $0xFFFF8000  }
0x3b: {  	_ =	sfence.sel $0x180000  }
0x3c: {  	[bflag:$0x0] =	sbarrier.arrive $0xFFFF  }
0x3d: {  	p0 =	sne.s32 s0, $0x0;
	_ =	strace $0x9000004A  }
0x3e: {  	s0 =	sadd.s32 @!p0 $0x100000, s1;
	[bflag:$0x2] =	sbarrier.arrive $0xFFFF  }
0x3f: {  	[sflag:s0] =	ssyncadd.tile.s32 @!p0 $0x1;
	_ =	shalt  }
.Lfunc_end2:
_tile_overlayer_lowered:
.L_overlay_start_2:
0x40: {  	(tag) =	ssettag $0x2  }
0x41: {  	s0 =	rddreg [dreg:$0x0];
	s2 =	stileid.u32  }
0x42: {  	s1 =	rddreg [dreg:$0x1];
	p0 =	sne.s32 s2, $0x0  }
0x43: {  	s3 =	rddreg [dreg:$0x2];
	[bflag:$0x3] =	sbarrier.arrive $0xFFFF;
	s2 =	simm.s32 @!p0 $0x1C06  }
0x44: {  	[timem:s3], [sflag:s2] =	dma.local @!p0 [hbm:s0], s1  }
0x45: {  	s0 =	simm.s32 @!p0 $0x6  }
0x46: {  	_ =	swait.ge @!p0 [sflag:s0], s1  }
0x47: {  	s1 =	ssub.s32 @!p0 $0x0, s1;
	[sflag:s0] =	ssyncset.done @!p0 $0x0  }
0x48: {  	[sflag:s0] =	ssyncadd.s32 @!p0 s1  }
0x49: {  	[bflag:$0x3] =	sbarrier.arrive $0xFFFF  }
0x4a: {  	_ =	shalt  }

</sc_bundles>
